<compile_context>
chip_gen: v7x
topology: tpu7x:2x2x1
jax: 0.10.2.dev20260603
libtpu: 0.0.44.dev20260713+nightly
codegen_flags: <defaults>
</compile_context>

<pallas_src>
import functools

import jax
import jax.numpy as jnp
from jax import lax
from jax.experimental import pallas as pl
from jax.experimental.pallas import tpu as pltpu
from jax.experimental.pallas import tpu_sc as plsc

N = 10000
E = 640000
D_IN = 128
H = 128
G = 64

NC = 2
NS = 16
NW = NC * NS

NPAD = 10112
PADROW = 10008
CH = 128
NBUF = 4
PRE = 3

CPTC = 316
EPADC = NS * CPTC * CH
CPTD = 160
EPADD = NW * CPTD * CH

RB = 2528
F2 = 32

_mesh = plsc.VectorSubcoreMesh(core_axis_name="c", subcore_axis_name="s")
_RPT = NPAD // NS
_SC_PARAMS = pltpu.CompilerParams(use_tc_tiling_on_sc=False)


def _sc_conv_hbm(zflat, srcpo, dstp, zeros32):

    @functools.partial(
        pl.kernel,
        out_type=jax.ShapeDtypeStruct((NC, NPAD, F2), jnp.float32),
        mesh=_mesh,
        compiler_params=_SC_PARAMS,
        scratch_types=[
            pltpu.VMEM((CPTC, CH), jnp.int32),
            pltpu.VMEM((CPTC, CH), jnp.int32),
            pltpu.VMEM((NBUF, CH, F2), jnp.float32),
            pltpu.VMEM_SHARED((NPAD, F2), jnp.float32),
            pltpu.SemaphoreType.DMA,
        ],
    )
    def k(zf_hbm, srcp_hbm, dstp_hbm, z32_hbm, out_hbm,
          src_v, dst_v, rows_v, acc_sh, gsem):
        c = lax.axis_index("c")
        s = lax.axis_index("s")
        sl = pl.ds(s * _RPT, _RPT)
        pltpu.sync_copy(z32_hbm, acc_sh.at[sl])
        pltpu.sync_copy(srcp_hbm.at[c * NS + s], src_v)
        pltpu.sync_copy(dstp_hbm.at[s], dst_v)
        plsc.subcore_barrier()

        for b in range(PRE):
            pltpu.async_copy(zf_hbm.at[src_v.at[b]], rows_v.at[b], gsem)

        @pl.loop(0, CPTC, step=NBUF)
        def _(j):
            for b in range(NBUF):
                jj = j + b
                pltpu.make_async_copy(
                    zf_hbm.at[src_v.at[jj]], rows_v.at[b], gsem).wait()
                pltpu.sync_copy(rows_v.at[b], acc_sh.at[dst_v.at[jj]],
                                add=True)
                nxt = jj + PRE

                @pl.when(nxt < CPTC)
                def _():
                    pltpu.async_copy(zf_hbm.at[src_v.at[nxt]],
                                     rows_v.at[(b + PRE) % NBUF], gsem)

        plsc.subcore_barrier()
        pltpu.sync_copy(acc_sh.at[sl], out_hbm.at[c, sl])

    return k(zflat, srcpo, dstp, zeros32)


def _sc_degree(dstp, ones16, zeros16):

    @functools.partial(
        pl.kernel,
        out_type=jax.ShapeDtypeStruct((NC, NPAD, 16), jnp.float32),
        mesh=_mesh,
        compiler_params=_SC_PARAMS,
        scratch_types=[
            pltpu.VMEM((CPTD, CH), jnp.int32),
            pltpu.VMEM((CH, 16), jnp.float32),
            pltpu.VMEM_SHARED((NPAD, 16), jnp.float32),
        ],
    )
    def k(dstp_hbm, ones_hbm, z16_hbm, out_hbm, dst_v, ones_v, deg_sh):
        c = lax.axis_index("c")
        s = lax.axis_index("s")
        w = c * NS + s
        sl = pl.ds(s * _RPT, _RPT)
        pltpu.sync_copy(z16_hbm, deg_sh.at[sl])
        pltpu.sync_copy(dstp_hbm.at[w], dst_v)
        pltpu.sync_copy(ones_hbm, ones_v)
        plsc.subcore_barrier()

        @pl.loop(0, CPTD)
        def _(j):
            pltpu.sync_copy(ones_v, deg_sh.at[dst_v.at[j]], add=True)

        plsc.subcore_barrier()
        pltpu.sync_copy(deg_sh.at[sl], out_hbm.at[c, sl])

    return k(dstp, ones16, zeros16)


def _split2(z):
    return jnp.concatenate([z[None, :, :F2], z[None, :, F2:]], axis=0)


def _tc_lin1(xp, W1, b1, Wc1):

    def body(x_ref, w1_ref, b1_ref, wc1_ref, z1_ref):
        h = jnp.dot(x_ref[...], w1_ref[...],
                    preferred_element_type=jnp.float32) + b1_ref[...]
        h = jnp.maximum(h, 0.0)
        z1_ref[...] = jnp.dot(h, wc1_ref[...],
                              preferred_element_type=jnp.float32)

    return pl.pallas_call(
        body,
        grid=(NPAD // RB,),
        in_specs=[
            pl.BlockSpec((RB, D_IN), lambda i: (i, 0)),
            pl.BlockSpec((D_IN, H), lambda i: (0, 0)),
            pl.BlockSpec((1, H), lambda i: (0, 0)),
            pl.BlockSpec((H, H // 2), lambda i: (0, 0)),
        ],
        out_specs=pl.BlockSpec((RB, H // 2), lambda i: (i, 0)),
        out_shape=jax.ShapeDtypeStruct((NPAD, H // 2), jnp.float32),
    )(xp, W1, b1.reshape(1, H), Wc1)


def _tc_norm(degp, z1):

    def body(deg_ref, z1_ref, dinv_ref, zs1_ref):
        d = deg_ref[...]
        deg = d[0] + d[1] + 1.0
        dinv = lax.rsqrt(deg)
        dinv_ref[...] = dinv
        zs1_ref[...] = _split2(z1_ref[...] * dinv[:, :1])

    return pl.pallas_call(
        body,
        grid=(NPAD // RB,),
        in_specs=[
            pl.BlockSpec((NC, RB, 16), lambda i: (0, i, 0)),
            pl.BlockSpec((RB, H // 2), lambda i: (i, 0)),
        ],
        out_specs=[
            pl.BlockSpec((RB, 16), lambda i: (i, 0)),
            pl.BlockSpec((NC, RB, F2), lambda i: (0, i, 0)),
        ],
        out_shape=[
            jax.ShapeDtypeStruct((NPAD, 16), jnp.float32),
            jax.ShapeDtypeStruct((NC, NPAD, F2), jnp.float32),
        ],
    )(degp, z1)


def _tc_mid(acc1, z1, dinv16, bc1, Wc2):

    def body(acc_ref, z1_ref, dinv_ref, bc1_ref, wc2_ref, z2_ref, zs2_ref):
        a = acc_ref[...]
        acc = jnp.concatenate([a[0], a[1]], axis=1)
        dv = dinv_ref[...][:, :1]
        h1 = jnp.maximum(dv * acc + dv * dv * z1_ref[...]
                         + bc1_ref[...], 0.0)
        z2 = jnp.dot(h1, wc2_ref[...], preferred_element_type=jnp.float32)
        z2_ref[...] = z2
        zs2_ref[...] = _split2(z2 * dv)

    return pl.pallas_call(
        body,
        grid=(NPAD // RB,),
        in_specs=[
            pl.BlockSpec((NC, RB, F2), lambda i: (0, i, 0)),
            pl.BlockSpec((RB, H // 2), lambda i: (i, 0)),
            pl.BlockSpec((RB, 16), lambda i: (i, 0)),
            pl.BlockSpec((1, H // 2), lambda i: (0, 0)),
            pl.BlockSpec((H // 2, H // 2), lambda i: (0, 0)),
        ],
        out_specs=[
            pl.BlockSpec((RB, H // 2), lambda i: (i, 0)),
            pl.BlockSpec((NC, RB, F2), lambda i: (0, i, 0)),
        ],
        out_shape=[
            jax.ShapeDtypeStruct((NPAD, H // 2), jnp.float32),
            jax.ShapeDtypeStruct((NC, NPAD, F2), jnp.float32),
        ],
    )(acc1, z1, dinv16, bc1.reshape(1, H // 2), Wc2)


def _tc_head(acc2, z2, dinv16, bc2, batch2d, W2, b2, W3, b3):

    def body(acc_ref, z2_ref, dinv_ref, bc2_ref, batch_ref,
             w2_ref, b2_ref, w3_ref, b3_ref, out_ref):
        a = acc_ref[...]
        acc = jnp.concatenate([a[0], a[1]], axis=1)
        dv = dinv_ref[...][:, :1]
        h2 = jnp.maximum(dv * acc + dv * dv * z2_ref[...]
                         + bc2_ref[...], 0.0)
        gi = lax.broadcasted_iota(jnp.int32, (G, NPAD), 0)
        m = (batch_ref[...] == gi).astype(jnp.float32)
        sums = jnp.dot(m, h2, preferred_element_type=jnp.float32,
                       precision=lax.Precision.HIGHEST)
        cnts = jnp.sum(m, axis=1, keepdims=True)
        pooled = sums / jnp.maximum(cnts, 1.0)
        r = jnp.maximum(jnp.dot(pooled, w2_ref[...],
                                preferred_element_type=jnp.float32)
                        + b2_ref[...], 0.0)
        out_ref[...] = jnp.dot(r, w3_ref[...],
                               preferred_element_type=jnp.float32) + b3_ref[...]

    return pl.pallas_call(
        body,
        out_shape=jax.ShapeDtypeStruct((G, 1), jnp.float32),
    )(acc2, z2, dinv16, bc2.reshape(1, H // 2), batch2d,
      W2, b2.reshape(1, H // 4), W3, b3.reshape(1, 1))


def kernel(x, edge_index, batch, W1, b1, Wc1, bc1, Wc2, bc2, W2, b2, W3, b3):
    xp = jnp.pad(x, ((0, NPAD - N), (0, 0)))
    padc = EPADC - E
    srcp = jnp.concatenate(
        [edge_index[0], jnp.zeros((padc,), jnp.int32)]).reshape(NS, CPTC, CH)
    dstpc = jnp.concatenate(
        [edge_index[1], jnp.full((padc,), PADROW, jnp.int32)]).reshape(NS, CPTC, CH)
    padd = EPADD - E
    dstpd = jnp.concatenate(
        [edge_index[1], jnp.full((padd,), PADROW, jnp.int32)]).reshape(NW, CPTD, CH)
    batch2d = jnp.pad(batch, (0, NPAD - N), constant_values=G).reshape(1, NPAD)
    zeros32 = jnp.zeros((_RPT, F2), jnp.float32)
    zeros16 = jnp.zeros((_RPT, 16), jnp.float32)
    ones16 = jnp.ones((CH, 16), jnp.float32)

    degp = _sc_degree(dstpd, ones16, zeros16)
    z1 = _tc_lin1(xp, W1, b1, Wc1)
    dinv16, zs1 = _tc_norm(degp, z1)

    srcpo = (srcp[None] + (jnp.arange(NC, dtype=jnp.int32) * NPAD
                           ).reshape(NC, 1, 1, 1)).reshape(NW, CPTC, CH)
    acc1 = _sc_conv_hbm(zs1.reshape(NC * NPAD, F2), srcpo, dstpc, zeros32)
    z2, zs2 = _tc_mid(acc1, z1, dinv16, bc1, Wc2)

    acc2 = _sc_conv_hbm(zs2.reshape(NC * NPAD, F2), srcpo, dstpc, zeros32)
    return _tc_head(acc2, z2, dinv16, bc2, batch2d, W2, b2, W3, b3)

# --- scband reference (transcript-rebuilt; emitter-appended) ---
"""Pipeline reference for scband-gcnmodel-30648886624547 (READ-ONLY COPY).

The authoritative reference and input builder live on the scoring server;
editing this copy changes nothing except your own understanding.
"""

import jax, jax.numpy as jnp
import numpy as np

N = 10000
E = 640000
D_IN = 128
H = 128  # hidden_layer_size; conv dims: H//2=64, lin2 out: H//4=32
G = 64   # number of graphs in batch


def setup_inputs(seed: int = 0) -> dict:
    key = jax.random.key(seed)
    ks = jax.random.split(key, 16)
    x = jax.random.normal(ks[0], (N, D_IN), dtype=jnp.float32)
    edge_index = jax.random.randint(ks[1], (2, E), 0, N, dtype=jnp.int32)
    batch = jnp.sort(jax.random.randint(ks[2], (N,), 0, G, dtype=jnp.int32))
    s = 0.05
    W1 = jax.random.normal(ks[3], (D_IN, H), dtype=jnp.float32) * s
    b1 = jnp.zeros((H,), dtype=jnp.float32)
    Wc1 = jax.random.normal(ks[4], (H, H // 2), dtype=jnp.float32) * s
    bc1 = jnp.zeros((H // 2,), dtype=jnp.float32)
    Wc2 = jax.random.normal(ks[5], (H // 2, H // 2), dtype=jnp.float32) * s
    bc2 = jnp.zeros((H // 2,), dtype=jnp.float32)
    W2 = jax.random.normal(ks[6], (H // 2, H // 4), dtype=jnp.float32) * s
    b2 = jnp.zeros((H // 4,), dtype=jnp.float32)
    W3 = jax.random.normal(ks[7], (H // 4, 1), dtype=jnp.float32) * s
    b3 = jnp.zeros((1,), dtype=jnp.float32)
    return {"x": x, "edge_index": edge_index, "batch": batch,
            "W1": W1, "b1": b1, "Wc1": Wc1, "bc1": bc1,
            "Wc2": Wc2, "bc2": bc2, "W2": W2, "b2": b2, "W3": W3, "b3": b3}


def _gcn_conv(h, src, dst, norm, W, b, n):
    # GCNConv: D^{-1/2} (A+I) D^{-1/2} (h W) + b, self-loops already in src/dst
    m = (h @ W)[src] * norm[:, None]
    return jax.ops.segment_sum(m, dst, num_segments=n) + b


def reference(x, edge_index, batch, W1, b1, Wc1, bc1, Wc2, bc2, W2, b2, W3, b3):
    n = x.shape[0]
    loop = jnp.arange(n, dtype=edge_index.dtype)
    src = jnp.concatenate([edge_index[0], loop])
    dst = jnp.concatenate([edge_index[1], loop])
    deg = jax.ops.segment_sum(jnp.ones_like(dst, dtype=jnp.float32), dst, num_segments=n)
    dinv = jnp.where(deg > 0, deg ** -0.5, 0.0)
    norm = dinv[src] * dinv[dst]

    h = jax.nn.relu(x @ W1 + b1)
    h = jax.nn.relu(_gcn_conv(h, src, dst, norm, Wc1, bc1, n))
    h = jax.nn.relu(_gcn_conv(h, src, dst, norm, Wc2, bc2, n))

    # global_mean_pool over batch segments
    sums = jax.ops.segment_sum(h, batch, num_segments=G)
    cnts = jax.ops.segment_sum(jnp.ones((n,), dtype=jnp.float32), batch, num_segments=G)
    pooled = sums / jnp.clip(cnts, 1.0)[:, None]

    # dropout(p=0.5) treated as identity (deterministic reference)
    out = jax.nn.relu(pooled @ W2 + b2)
    out = out @ W3 + b3
    return out

if __name__ == "__main__":
    import jax
    _d = setup_inputs()
    print(jax.jit(kernel)(*tuple(_d.values())))

</pallas_src>

<mosaic_0001>
#map = affine_map<(d0, d1) -> (0, 0)>
#map1 = affine_map<(d0, d1) -> (0, 0, 0)>
module attributes {stable_mosaic.version = 14 : i64} {
  func.func @k(%arg0: i32, %arg1: i32, %arg2: memref<20224x32xf32, #tpu.memory_space<hbm>>, %arg3: memref<32x316x128xi32, #tpu.memory_space<hbm>>, %arg4: memref<16x316x128xi32, #tpu.memory_space<hbm>>, %arg5: memref<632x32xf32, #tpu.memory_space<hbm>>, %arg6: memref<2x10112x32xf32, #tpu.memory_space<hbm>>, %arg7: memref<316x128xi32, #tpu.memory_space<vmem>>, %arg8: memref<316x128xi32, #tpu.memory_space<vmem>>, %arg9: memref<4x128x32xf32, #tpu.memory_space<vmem>>, %arg10: memref<10112x32xf32, #tpu.memory_space<vmem_shared>>, %arg11: memref<!tpu.dma_semaphore, #tpu.memory_space<semaphore_mem>>) attributes {dimension_semantics = [#tpu.dimension_semantics<core_parallel>, #tpu.dimension_semantics<subcore_parallel>], iteration_bounds = array<i64: 2, 16>, scalar_prefetch = 0 : i64, scratch_operands = 5 : i64, tpu.core_type = #tpu.core_type<sc_vector_subcore>, window_params = [{transform_indices = #map}, {transform_indices = #map1}, {transform_indices = #map1}, {transform_indices = #map}, {transform_indices = #map1}]} {
    %mul3A = arith.constant 632 : i32
    %mul3A_0 = arith.muli %arg1, %mul3A : i32
    "tpu.region"() ({
      %run_scoped3A = tpu.sem_alloc : memref<!tpu.dma_semaphore, #tpu.memory_space<semaphore_mem>>
      %dma_start3A_43 = arith.constant 0 : i32
      %dma_start3A_44 = tpu.memref_slice %arg10[%mul3A_0, %dma_start3A_43] : memref<10112x32xf32, #tpu.memory_space<vmem_shared>> -> memref<632x32xf32, #tpu.memory_space<vmem_shared>>
      tpu.enqueue_dma source(%arg5 : memref<632x32xf32, #tpu.memory_space<hbm>>) target(%dma_start3A_44 : memref<632x32xf32, #tpu.memory_space<vmem_shared>>) target_semaphore(%run_scoped3A : memref<!tpu.dma_semaphore, #tpu.memory_space<semaphore_mem>>)
      %dma_wait3A = arith.constant 0 : i32
      %dma_wait3A_45 = tpu.memref_slice %arg10[%mul3A_0, %dma_wait3A] : memref<10112x32xf32, #tpu.memory_space<vmem_shared>> -> memref<632x32xf32, #tpu.memory_space<vmem_shared>>
      tpu.wait_dma2 semaphore(%run_scoped3A : memref<!tpu.dma_semaphore, #tpu.memory_space<semaphore_mem>>) src(%arg5 : memref<632x32xf32, #tpu.memory_space<hbm>>) dst(%dma_wait3A_45 : memref<632x32xf32, #tpu.memory_space<vmem_shared>>)
      tpu.yield
    }) : () -> ()
    %mul3A_1 = arith.constant 16 : i32
    %mul3A_2 = arith.muli %arg0, %mul3A_1 : i32
    %add3A = arith.addi %mul3A_2, %arg1 : i32
    "tpu.region"() ({
      %run_scoped3A = tpu.sem_alloc : memref<!tpu.dma_semaphore, #tpu.memory_space<semaphore_mem>>
      %dma_start3A_43 = arith.constant 0 : i32
      %dma_start3A_44 = arith.constant 0 : i32
      %dma_start3A_45 = tpu.memref_slice %arg3[%add3A, %dma_start3A_43, %dma_start3A_44] : memref<32x316x128xi32, #tpu.memory_space<hbm>> -> memref<1x316x128xi32, #tpu.memory_space<hbm>>
      %dma_start3A_46 = tpu.memref_squeeze %dma_start3A_45 : memref<1x316x128xi32, #tpu.memory_space<hbm>> -> memref<316x128xi32, #tpu.memory_space<hbm>>
      %dma_start3A_47 = arith.constant 0 : i32
      %dma_start3A_48 = arith.constant 0 : i32
      %dma_start3A_49 = tpu.memref_slice %arg3[%add3A, %dma_start3A_47, %dma_start3A_48] : memref<32x316x128xi32, #tpu.memory_space<hbm>> -> memref<1x316x128xi32, #tpu.memory_space<hbm>>
      %dma_start3A_50 = tpu.memref_squeeze %dma_start3A_49 : memref<1x316x128xi32, #tpu.memory_space<hbm>> -> memref<316x128xi32, #tpu.memory_space<hbm>>
      tpu.enqueue_dma source(%dma_start3A_50 : memref<316x128xi32, #tpu.memory_space<hbm>>) target(%arg7 : memref<316x128xi32, #tpu.memory_space<vmem>>) target_semaphore(%run_scoped3A : memref<!tpu.dma_semaphore, #tpu.memory_space<semaphore_mem>>)
      %dma_wait3A = arith.constant 0 : i32
      %dma_wait3A_51 = arith.constant 0 : i32
      %dma_wait3A_52 = tpu.memref_slice %arg3[%add3A, %dma_wait3A, %dma_wait3A_51] : memref<32x316x128xi32, #tpu.memory_space<hbm>> -> memref<1x316x128xi32, #tpu.memory_space<hbm>>
      %dma_wait3A_53 = tpu.memref_squeeze %dma_wait3A_52 : memref<1x316x128xi32, #tpu.memory_space<hbm>> -> memref<316x128xi32, #tpu.memory_space<hbm>>
      %dma_wait3A_54 = arith.constant 0 : i32
      %dma_wait3A_55 = arith.constant 0 : i32
      %dma_wait3A_56 = tpu.memref_slice %arg3[%add3A, %dma_wait3A_54, %dma_wait3A_55] : memref<32x316x128xi32, #tpu.memory_space<hbm>> -> memref<1x316x128xi32, #tpu.memory_space<hbm>>
      %dma_wait3A_57 = tpu.memref_squeeze %dma_wait3A_56 : memref<1x316x128xi32, #tpu.memory_space<hbm>> -> memref<316x128xi32, #tpu.memory_space<hbm>>
      tpu.wait_dma2 semaphore(%run_scoped3A : memref<!tpu.dma_semaphore, #tpu.memory_space<semaphore_mem>>) src(%dma_wait3A_57 : memref<316x128xi32, #tpu.memory_space<hbm>>) dst(%arg7 : memref<316x128xi32, #tpu.memory_space<vmem>>)
      tpu.yield
    }) : () -> ()
    "tpu.region"() ({
      %run_scoped3A = tpu.sem_alloc : memref<!tpu.dma_semaphore, #tpu.memory_space<semaphore_mem>>
      %dma_start3A_43 = arith.constant 0 : i32
      %dma_start3A_44 = arith.constant 0 : i32
      %dma_start3A_45 = tpu.memref_slice %arg4[%arg1, %dma_start3A_43, %dma_start3A_44] : memref<16x316x128xi32, #tpu.memory_space<hbm>> -> memref<1x316x128xi32, #tpu.memory_space<hbm>>
      %dma_start3A_46 = tpu.memref_squeeze %dma_start3A_45 : memref<1x316x128xi32, #tpu.memory_space<hbm>> -> memref<316x128xi32, #tpu.memory_space<hbm>>
      %dma_start3A_47 = arith.constant 0 : i32
      %dma_start3A_48 = arith.constant 0 : i32
      %dma_start3A_49 = tpu.memref_slice %arg4[%arg1, %dma_start3A_47, %dma_start3A_48] : memref<16x316x128xi32, #tpu.memory_space<hbm>> -> memref<1x316x128xi32, #tpu.memory_space<hbm>>
      %dma_start3A_50 = tpu.memref_squeeze %dma_start3A_49 : memref<1x316x128xi32, #tpu.memory_space<hbm>> -> memref<316x128xi32, #tpu.memory_space<hbm>>
      tpu.enqueue_dma source(%dma_start3A_50 : memref<316x128xi32, #tpu.memory_space<hbm>>) target(%arg8 : memref<316x128xi32, #tpu.memory_space<vmem>>) target_semaphore(%run_scoped3A : memref<!tpu.dma_semaphore, #tpu.memory_space<semaphore_mem>>)
      %dma_wait3A = arith.constant 0 : i32
      %dma_wait3A_51 = arith.constant 0 : i32
      %dma_wait3A_52 = tpu.memref_slice %arg4[%arg1, %dma_wait3A, %dma_wait3A_51] : memref<16x316x128xi32, #tpu.memory_space<hbm>> -> memref<1x316x128xi32, #tpu.memory_space<hbm>>
      %dma_wait3A_53 = tpu.memref_squeeze %dma_wait3A_52 : memref<1x316x128xi32, #tpu.memory_space<hbm>> -> memref<316x128xi32, #tpu.memory_space<hbm>>
      %dma_wait3A_54 = arith.constant 0 : i32
      %dma_wait3A_55 = arith.constant 0 : i32
      %dma_wait3A_56 = tpu.memref_slice %arg4[%arg1, %dma_wait3A_54, %dma_wait3A_55] : memref<16x316x128xi32, #tpu.memory_space<hbm>> -> memref<1x316x128xi32, #tpu.memory_space<hbm>>
      %dma_wait3A_57 = tpu.memref_squeeze %dma_wait3A_56 : memref<1x316x128xi32, #tpu.memory_space<hbm>> -> memref<316x128xi32, #tpu.memory_space<hbm>>
      tpu.wait_dma2 semaphore(%run_scoped3A : memref<!tpu.dma_semaphore, #tpu.memory_space<semaphore_mem>>) src(%dma_wait3A_57 : memref<316x128xi32, #tpu.memory_space<hbm>>) dst(%arg8 : memref<316x128xi32, #tpu.memory_space<vmem>>)
      tpu.yield
    }) : () -> ()
    %barrier3A = arith.constant 0 : index
    tpu.barrier barrier_id(%barrier3A)
    %dma_start3A = arith.constant 0 : i32
    %dma_start3A_3 = arith.constant 0 : i32
    %dma_start3A_4 = arith.constant 0 : i32
    %dma_start3A_5 = arith.constant 0 : i32
    %dma_start3A_6 = tpu.memref_slice %arg9[%dma_start3A_3, %dma_start3A_4, %dma_start3A_5] : memref<4x128x32xf32, #tpu.memory_space<vmem>> -> memref<1x128x32xf32, #tpu.memory_space<vmem>>
    %dma_start3A_7 = tpu.memref_squeeze %dma_start3A_6 : memref<1x128x32xf32, #tpu.memory_space<vmem>> -> memref<128x32xf32, #tpu.memory_space<vmem>>
    %dma_start3A_8 = arith.constant 0 : i32
    %dma_start3A_9 = tpu.memref_slice %arg7[%dma_start3A, %dma_start3A_8] : memref<316x128xi32, #tpu.memory_space<vmem>> -> memref<1x128xi32, #tpu.memory_space<vmem>>
    %dma_start3A_10 = tpu.memref_squeeze %dma_start3A_9 : memref<1x128xi32, #tpu.memory_space<vmem>> -> memref<128xi32, #tpu.memory_space<vmem>>
    %dma_start3A_11 = arith.constant 0 : i32
    %dma_start3A_12 = arith.constant 0 : i32
    %dma_start3A_13 = tpu.memref_slice %arg2[%dma_start3A_11, %dma_start3A_12] : memref<20224x32xf32, #tpu.memory_space<hbm>> -> memref<20224x32xf32, #tpu.memory_space<hbm>>
    tpu.enqueue_indirect_dma source(%dma_start3A_13 : memref<20224x32xf32, #tpu.memory_space<hbm>>) target(%dma_start3A_7 : memref<128x32xf32, #tpu.memory_space<vmem>>) offsets(%dma_start3A_10 : memref<128xi32, #tpu.memory_space<vmem>>) semaphore(%arg11 : memref<!tpu.dma_semaphore, #tpu.memory_space<semaphore_mem>>)
    %dma_start3A_14 = arith.constant 1 : i32
    %dma_start3A_15 = arith.constant 1 : i32
    %dma_start3A_16 = arith.constant 0 : i32
    %dma_start3A_17 = arith.constant 0 : i32
    %dma_start3A_18 = tpu.memref_slice %arg9[%dma_start3A_15, %dma_start3A_16, %dma_start3A_17] : memref<4x128x32xf32, #tpu.memory_space<vmem>> -> memref<1x128x32xf32, #tpu.memory_space<vmem>>
    %dma_start3A_19 = tpu.memref_squeeze %dma_start3A_18 : memref<1x128x32xf32, #tpu.memory_space<vmem>> -> memref<128x32xf32, #tpu.memory_space<vmem>>
    %dma_start3A_20 = arith.constant 0 : i32
    %dma_start3A_21 = tpu.memref_slice %arg7[%dma_start3A_14, %dma_start3A_20] : memref<316x128xi32, #tpu.memory_space<vmem>> -> memref<1x128xi32, #tpu.memory_space<vmem>>
    %dma_start3A_22 = tpu.memref_squeeze %dma_start3A_21 : memref<1x128xi32, #tpu.memory_space<vmem>> -> memref<128xi32, #tpu.memory_space<vmem>>
    %dma_start3A_23 = arith.constant 0 : i32
    %dma_start3A_24 = arith.constant 0 : i32
    %dma_start3A_25 = tpu.memref_slice %arg2[%dma_start3A_23, %dma_start3A_24] : memref<20224x32xf32, #tpu.memory_space<hbm>> -> memref<20224x32xf32, #tpu.memory_space<hbm>>
    tpu.enqueue_indirect_dma source(%dma_start3A_25 : memref<20224x32xf32, #tpu.memory_space<hbm>>) target(%dma_start3A_19 : memref<128x32xf32, #tpu.memory_space<vmem>>) offsets(%dma_start3A_22 : memref<128xi32, #tpu.memory_space<vmem>>) semaphore(%arg11 : memref<!tpu.dma_semaphore, #tpu.memory_space<semaphore_mem>>)
    %dma_start3A_26 = arith.constant 2 : i32
    %dma_start3A_27 = arith.constant 2 : i32
    %dma_start3A_28 = arith.constant 0 : i32
    %dma_start3A_29 = arith.constant 0 : i32
    %dma_start3A_30 = tpu.memref_slice %arg9[%dma_start3A_27, %dma_start3A_28, %dma_start3A_29] : memref<4x128x32xf32, #tpu.memory_space<vmem>> -> memref<1x128x32xf32, #tpu.memory_space<vmem>>
    %dma_start3A_31 = tpu.memref_squeeze %dma_start3A_30 : memref<1x128x32xf32, #tpu.memory_space<vmem>> -> memref<128x32xf32, #tpu.memory_space<vmem>>
    %dma_start3A_32 = arith.constant 0 : i32
    %dma_start3A_33 = tpu.memref_slice %arg7[%dma_start3A_26, %dma_start3A_32] : memref<316x128xi32, #tpu.memory_space<vmem>> -> memref<1x128xi32, #tpu.memory_space<vmem>>
    %dma_start3A_34 = tpu.memref_squeeze %dma_start3A_33 : memref<1x128xi32, #tpu.memory_space<vmem>> -> memref<128xi32, #tpu.memory_space<vmem>>
    %dma_start3A_35 = arith.constant 0 : i32
    %dma_start3A_36 = arith.constant 0 : i32
    %dma_start3A_37 = tpu.memref_slice %arg2[%dma_start3A_35, %dma_start3A_36] : memref<20224x32xf32, #tpu.memory_space<hbm>> -> memref<20224x32xf32, #tpu.memory_space<hbm>>
    tpu.enqueue_indirect_dma source(%dma_start3A_37 : memref<20224x32xf32, #tpu.memory_space<hbm>>) target(%dma_start3A_31 : memref<128x32xf32, #tpu.memory_space<vmem>>) offsets(%dma_start3A_34 : memref<128xi32, #tpu.memory_space<vmem>>) semaphore(%arg11 : memref<!tpu.dma_semaphore, #tpu.memory_space<semaphore_mem>>)
    %scan3A = arith.constant 0 : i32
    %scan3A_38 = arith.constant 79 : i32
    %scan3A_39 = arith.addi %scan3A, %scan3A_38 : i32
    %scan3A_40 = arith.constant 1 : i32
    scf.for %scan3A_43 = %scan3A to %scan3A_39 step %scan3A_40  : i32 {
      %mul3A_44 = arith.constant 4 : i32
      %mul3A_45 = arith.muli %scan3A_43, %mul3A_44 : i32
      %add3A_46 = arith.constant 0 : i32
      %add3A_47 = arith.addi %add3A_46, %mul3A_45 : i32
      %add3A_48 = arith.constant 0 : i32
      %add3A_49 = arith.addi %add3A_47, %add3A_48 : i32
      %dma_wait3A = arith.constant 0 : i32
      %dma_wait3A_50 = arith.constant 0 : i32
      %dma_wait3A_51 = arith.constant 0 : i32
      %dma_wait3A_52 = tpu.memref_slice %arg9[%dma_wait3A, %dma_wait3A_50, %dma_wait3A_51] : memref<4x128x32xf32, #tpu.memory_space<vmem>> -> memref<1x128x32xf32, #tpu.memory_space<vmem>>
      %dma_wait3A_53 = tpu.memref_squeeze %dma_wait3A_52 : memref<1x128x32xf32, #tpu.memory_space<vmem>> -> memref<128x32xf32, #tpu.memory_space<vmem>>
      %dma_wait3A_54 = arith.constant 0 : i32
      %dma_wait3A_55 = tpu.memref_slice %arg7[%add3A_49, %dma_wait3A_54] : memref<316x128xi32, #tpu.memory_space<vmem>> -> memref<1x128xi32, #tpu.memory_space<vmem>>
      %dma_wait3A_56 = tpu.memref_squeeze %dma_wait3A_55 : memref<1x128xi32, #tpu.memory_space<vmem>> -> memref<128xi32, #tpu.memory_space<vmem>>
      %dma_wait3A_57 = arith.constant 0 : i32
      %dma_wait3A_58 = arith.constant 0 : i32
      %dma_wait3A_59 = tpu.memref_slice %arg2[%dma_wait3A_57, %dma_wait3A_58] : memref<20224x32xf32, #tpu.memory_space<hbm>> -> memref<20224x32xf32, #tpu.memory_space<hbm>>
      tpu.wait_indirect_dma semaphore(%arg11 : memref<!tpu.dma_semaphore, #tpu.memory_space<semaphore_mem>>) src(%dma_wait3A_59 : memref<20224x32xf32, #tpu.memory_space<hbm>>) dst(%dma_wait3A_53 : memref<128x32xf32, #tpu.memory_space<vmem>>)
      %run_scoped3A = arith.constant 0 : i32
      "tpu.region"() ({
        %run_scoped3A_127 = tpu.sem_alloc : memref<!tpu.dma_semaphore, #tpu.memory_space<semaphore_mem>>
        %dma_start3A_128 = arith.constant 0 : i32
        %dma_start3A_129 = arith.constant 0 : i32
        %dma_start3A_130 = tpu.memref_slice %arg9[%run_scoped3A, %dma_start3A_128, %dma_start3A_129] : memref<4x128x32xf32, #tpu.memory_space<vmem>> -> memref<1x128x32xf32, #tpu.memory_space<vmem>>
        %dma_start3A_131 = tpu.memref_squeeze %dma_start3A_130 : memref<1x128x32xf32, #tpu.memory_space<vmem>> -> memref<128x32xf32, #tpu.memory_space<vmem>>
        %dma_start3A_132 = arith.constant 0 : i32
        %dma_start3A_133 = tpu.memref_slice %arg8[%add3A_49, %dma_start3A_132] : memref<316x128xi32, #tpu.memory_space<vmem>> -> memref<1x128xi32, #tpu.memory_space<vmem>>
        %dma_start3A_134 = tpu.memref_squeeze %dma_start3A_133 : memref<1x128xi32, #tpu.memory_space<vmem>> -> memref<128xi32, #tpu.memory_space<vmem>>
        %dma_start3A_135 = arith.constant 0 : i32
        %dma_start3A_136 = arith.constant 0 : i32
        %dma_start3A_137 = tpu.memref_slice %arg10[%dma_start3A_135, %dma_start3A_136] : memref<10112x32xf32, #tpu.memory_space<vmem_shared>> -> memref<10112x32xf32, #tpu.memory_space<vmem_shared>>
        tpu.enqueue_indirect_dma source(%dma_start3A_131 : memref<128x32xf32, #tpu.memory_space<vmem>>) target(%dma_start3A_137 : memref<10112x32xf32, #tpu.memory_space<vmem_shared>>) offsets(%dma_start3A_134 : memref<128xi32, #tpu.memory_space<vmem>>) semaphore(%run_scoped3A_127 : memref<!tpu.dma_semaphore, #tpu.memory_space<semaphore_mem>>) {add = true}
        %dma_wait3A_138 = arith.constant 0 : i32
        %dma_wait3A_139 = arith.constant 0 : i32
        %dma_wait3A_140 = tpu.memref_slice %arg9[%run_scoped3A, %dma_wait3A_138, %dma_wait3A_139] : memref<4x128x32xf32, #tpu.memory_space<vmem>> -> memref<1x128x32xf32, #tpu.memory_space<vmem>>
        %dma_wait3A_141 = tpu.memref_squeeze %dma_wait3A_140 : memref<1x128x32xf32, #tpu.memory_space<vmem>> -> memref<128x32xf32, #tpu.memory_space<vmem>>
        %dma_wait3A_142 = arith.constant 0 : i32
        %dma_wait3A_143 = tpu.memref_slice %arg8[%add3A_49, %dma_wait3A_142] : memref<316x128xi32, #tpu.memory_space<vmem>> -> memref<1x128xi32, #tpu.memory_space<vmem>>
        %dma_wait3A_144 = tpu.memref_squeeze %dma_wait3A_143 : memref<1x128xi32, #tpu.memory_space<vmem>> -> memref<128xi32, #tpu.memory_space<vmem>>
        %dma_wait3A_145 = arith.constant 0 : i32
        %dma_wait3A_146 = arith.constant 0 : i32
        %dma_wait3A_147 = tpu.memref_slice %arg10[%dma_wait3A_145, %dma_wait3A_146] : memref<10112x32xf32, #tpu.memory_space<vmem_shared>> -> memref<10112x32xf32, #tpu.memory_space<vmem_shared>>
        tpu.wait_indirect_dma semaphore(%run_scoped3A_127 : memref<!tpu.dma_semaphore, #tpu.memory_space<semaphore_mem>>) src(%dma_wait3A_141 : memref<128x32xf32, #tpu.memory_space<vmem>>) dst(%dma_wait3A_147 : memref<10112x32xf32, #tpu.memory_space<vmem_shared>>)
        tpu.yield
      }) : () -> ()
      %add3A_60 = arith.constant 3 : i32
      %add3A_61 = arith.addi %add3A_49, %add3A_60 : i32
      %lt3A = arith.constant 316 : i32
      %lt3A_62 = arith.cmpi slt, %add3A_61, %lt3A : i32
      %convert_element_type3A = arith.extui %lt3A_62 : i1 to i32
      %cond3A = arith.constant 0 : i32
      %cond3A_63 = arith.cmpi ne, %convert_element_type3A, %cond3A : i32
      scf.if %cond3A_63 {
        %dma_start3A_127 = arith.constant 3 : i32
        %dma_start3A_128 = arith.constant 0 : i32
        %dma_start3A_129 = arith.constant 0 : i32
        %dma_start3A_130 = tpu.memref_slice %arg9[%dma_start3A_127, %dma_start3A_128, %dma_start3A_129] : memref<4x128x32xf32, #tpu.memory_space<vmem>> -> memref<1x128x32xf32, #tpu.memory_space<vmem>>
        %dma_start3A_131 = tpu.memref_squeeze %dma_start3A_130 : memref<1x128x32xf32, #tpu.memory_space<vmem>> -> memref<128x32xf32, #tpu.memory_space<vmem>>
        %dma_start3A_132 = arith.constant 0 : i32
        %dma_start3A_133 = tpu.memref_slice %arg7[%add3A_61, %dma_start3A_132] : memref<316x128xi32, #tpu.memory_space<vmem>> -> memref<1x128xi32, #tpu.memory_space<vmem>>
        %dma_start3A_134 = tpu.memref_squeeze %dma_start3A_133 : memref<1x128xi32, #tpu.memory_space<vmem>> -> memref<128xi32, #tpu.memory_space<vmem>>
        %dma_start3A_135 = arith.constant 0 : i32
        %dma_start3A_136 = arith.constant 0 : i32
        %dma_start3A_137 = tpu.memref_slice %arg2[%dma_start3A_135, %dma_start3A_136] : memref<20224x32xf32, #tpu.memory_space<hbm>> -> memref<20224x32xf32, #tpu.memory_space<hbm>>
        tpu.enqueue_indirect_dma source(%dma_start3A_137 : memref<20224x32xf32, #tpu.memory_space<hbm>>) target(%dma_start3A_131 : memref<128x32xf32, #tpu.memory_space<vmem>>) offsets(%dma_start3A_134 : memref<128xi32, #tpu.memory_space<vmem>>) semaphore(%arg11 : memref<!tpu.dma_semaphore, #tpu.memory_space<semaphore_mem>>)
      } else {
      }
      %add3A_64 = arith.constant 1 : i32
      %add3A_65 = arith.addi %add3A_47, %add3A_64 : i32
      %dma_wait3A_66 = arith.constant 1 : i32
      %dma_wait3A_67 = arith.constant 0 : i32
      %dma_wait3A_68 = arith.constant 0 : i32
      %dma_wait3A_69 = tpu.memref_slice %arg9[%dma_wait3A_66, %dma_wait3A_67, %dma_wait3A_68] : memref<4x128x32xf32, #tpu.memory_space<vmem>> -> memref<1x128x32xf32, #tpu.memory_space<vmem>>
      %dma_wait3A_70 = tpu.memref_squeeze %dma_wait3A_69 : memref<1x128x32xf32, #tpu.memory_space<vmem>> -> memref<128x32xf32, #tpu.memory_space<vmem>>
      %dma_wait3A_71 = arith.constant 0 : i32
      %dma_wait3A_72 = tpu.memref_slice %arg7[%add3A_65, %dma_wait3A_71] : memref<316x128xi32, #tpu.memory_space<vmem>> -> memref<1x128xi32, #tpu.memory_space<vmem>>
      %dma_wait3A_73 = tpu.memref_squeeze %dma_wait3A_72 : memref<1x128xi32, #tpu.memory_space<vmem>> -> memref<128xi32, #tpu.memory_space<vmem>>
      %dma_wait3A_74 = arith.constant 0 : i32
      %dma_wait3A_75 = arith.constant 0 : i32
      %dma_wait3A_76 = tpu.memref_slice %arg2[%dma_wait3A_74, %dma_wait3A_75] : memref<20224x32xf32, #tpu.memory_space<hbm>> -> memref<20224x32xf32, #tpu.memory_space<hbm>>
      tpu.wait_indirect_dma semaphore(%arg11 : memref<!tpu.dma_semaphore, #tpu.memory_space<semaphore_mem>>) src(%dma_wait3A_76 : memref<20224x32xf32, #tpu.memory_space<hbm>>) dst(%dma_wait3A_70 : memref<128x32xf32, #tpu.memory_space<vmem>>)
      %run_scoped3A_77 = arith.constant 1 : i32
      "tpu.region"() ({
        %run_scoped3A_127 = tpu.sem_alloc : memref<!tpu.dma_semaphore, #tpu.memory_space<semaphore_mem>>
        %dma_start3A_128 = arith.constant 0 : i32
        %dma_start3A_129 = arith.constant 0 : i32
        %dma_start3A_130 = tpu.memref_slice %arg9[%run_scoped3A_77, %dma_start3A_128, %dma_start3A_129] : memref<4x128x32xf32, #tpu.memory_space<vmem>> -> memref<1x128x32xf32, #tpu.memory_space<vmem>>
        %dma_start3A_131 = tpu.memref_squeeze %dma_start3A_130 : memref<1x128x32xf32, #tpu.memory_space<vmem>> -> memref<128x32xf32, #tpu.memory_space<vmem>>
        %dma_start3A_132 = arith.constant 0 : i32
        %dma_start3A_133 = tpu.memref_slice %arg8[%add3A_65, %dma_start3A_132] : memref<316x128xi32, #tpu.memory_space<vmem>> -> memref<1x128xi32, #tpu.memory_space<vmem>>
        %dma_start3A_134 = tpu.memref_squeeze %dma_start3A_133 : memref<1x128xi32, #tpu.memory_space<vmem>> -> memref<128xi32, #tpu.memory_space<vmem>>
        %dma_start3A_135 = arith.constant 0 : i32
        %dma_start3A_136 = arith.constant 0 : i32
        %dma_start3A_137 = tpu.memref_slice %arg10[%dma_start3A_135, %dma_start3A_136] : memref<10112x32xf32, #tpu.memory_space<vmem_shared>> -> memref<10112x32xf32, #tpu.memory_space<vmem_shared>>
        tpu.enqueue_indirect_dma source(%dma_start3A_131 : memref<128x32xf32, #tpu.memory_space<vmem>>) target(%dma_start3A_137 : memref<10112x32xf32, #tpu.memory_space<vmem_shared>>) offsets(%dma_start3A_134 : memref<128xi32, #tpu.memory_space<vmem>>) semaphore(%run_scoped3A_127 : memref<!tpu.dma_semaphore, #tpu.memory_space<semaphore_mem>>) {add = true}
        %dma_wait3A_138 = arith.constant 0 : i32
        %dma_wait3A_139 = arith.constant 0 : i32
        %dma_wait3A_140 = tpu.memref_slice %arg9[%run_scoped3A_77, %dma_wait3A_138, %dma_wait3A_139] : memref<4x128x32xf32, #tpu.memory_space<vmem>> -> memref<1x128x32xf32, #tpu.memory_space<vmem>>
        %dma_wait3A_141 = tpu.memref_squeeze %dma_wait3A_140 : memref<1x128x32xf32, #tpu.memory_space<vmem>> -> memref<128x32xf32, #tpu.memory_space<vmem>>
        %dma_wait3A_142 = arith.constant 0 : i32
        %dma_wait3A_143 = tpu.memref_slice %arg8[%add3A_65, %dma_wait3A_142] : memref<316x128xi32, #tpu.memory_space<vmem>> -> memref<1x128xi32, #tpu.memory_space<vmem>>
        %dma_wait3A_144 = tpu.memref_squeeze %dma_wait3A_143 : memref<1x128xi32, #tpu.memory_space<vmem>> -> memref<128xi32, #tpu.memory_space<vmem>>
        %dma_wait3A_145 = arith.constant 0 : i32
        %dma_wait3A_146 = arith.constant 0 : i32
        %dma_wait3A_147 = tpu.memref_slice %arg10[%dma_wait3A_145, %dma_wait3A_146] : memref<10112x32xf32, #tpu.memory_space<vmem_shared>> -> memref<10112x32xf32, #tpu.memory_space<vmem_shared>>
        tpu.wait_indirect_dma semaphore(%run_scoped3A_127 : memref<!tpu.dma_semaphore, #tpu.memory_space<semaphore_mem>>) src(%dma_wait3A_141 : memref<128x32xf32, #tpu.memory_space<vmem>>) dst(%dma_wait3A_147 : memref<10112x32xf32, #tpu.memory_space<vmem_shared>>)
        tpu.yield
      }) : () -> ()
      %add3A_78 = arith.constant 3 : i32
      %add3A_79 = arith.addi %add3A_65, %add3A_78 : i32
      %lt3A_80 = arith.constant 316 : i32
      %lt3A_81 = arith.cmpi slt, %add3A_79, %lt3A_80 : i32
      %convert_element_type3A_82 = arith.extui %lt3A_81 : i1 to i32
      %cond3A_83 = arith.constant 0 : i32
      %cond3A_84 = arith.cmpi ne, %convert_element_type3A_82, %cond3A_83 : i32
      scf.if %cond3A_84 {
        %dma_start3A_127 = arith.constant 0 : i32
        %dma_start3A_128 = arith.constant 0 : i32
        %dma_start3A_129 = arith.constant 0 : i32
        %dma_start3A_130 = tpu.memref_slice %arg9[%dma_start3A_127, %dma_start3A_128, %dma_start3A_129] : memref<4x128x32xf32, #tpu.memory_space<vmem>> -> memref<1x128x32xf32, #tpu.memory_space<vmem>>
        %dma_start3A_131 = tpu.memref_squeeze %dma_start3A_130 : memref<1x128x32xf32, #tpu.memory_space<vmem>> -> memref<128x32xf32, #tpu.memory_space<vmem>>
        %dma_start3A_132 = arith.constant 0 : i32
        %dma_start3A_133 = tpu.memref_slice %arg7[%add3A_79, %dma_start3A_132] : memref<316x128xi32, #tpu.memory_space<vmem>> -> memref<1x128xi32, #tpu.memory_space<vmem>>
        %dma_start3A_134 = tpu.memref_squeeze %dma_start3A_133 : memref<1x128xi32, #tpu.memory_space<vmem>> -> memref<128xi32, #tpu.memory_space<vmem>>
        %dma_start3A_135 = arith.constant 0 : i32
        %dma_start3A_136 = arith.constant 0 : i32
        %dma_start3A_137 = tpu.memref_slice %arg2[%dma_start3A_135, %dma_start3A_136] : memref<20224x32xf32, #tpu.memory_space<hbm>> -> memref<20224x32xf32, #tpu.memory_space<hbm>>
        tpu.enqueue_indirect_dma source(%dma_start3A_137 : memref<20224x32xf32, #tpu.memory_space<hbm>>) target(%dma_start3A_131 : memref<128x32xf32, #tpu.memory_space<vmem>>) offsets(%dma_start3A_134 : memref<128xi32, #tpu.memory_space<vmem>>) semaphore(%arg11 : memref<!tpu.dma_semaphore, #tpu.memory_space<semaphore_mem>>)
      } else {
      }
      %add3A_85 = arith.constant 2 : i32
      %add3A_86 = arith.addi %add3A_47, %add3A_85 : i32
      %dma_wait3A_87 = arith.constant 2 : i32
      %dma_wait3A_88 = arith.constant 0 : i32
      %dma_wait3A_89 = arith.constant 0 : i32
      %dma_wait3A_90 = tpu.memref_slice %arg9[%dma_wait3A_87, %dma_wait3A_88, %dma_wait3A_89] : memref<4x128x32xf32, #tpu.memory_space<vmem>> -> memref<1x128x32xf32, #tpu.memory_space<vmem>>
      %dma_wait3A_91 = tpu.memref_squeeze %dma_wait3A_90 : memref<1x128x32xf32, #tpu.memory_space<vmem>> -> memref<128x32xf32, #tpu.memory_space<vmem>>
      %dma_wait3A_92 = arith.constant 0 : i32
      %dma_wait3A_93 = tpu.memref_slice %arg7[%add3A_86, %dma_wait3A_92] : memref<316x128xi32, #tpu.memory_space<vmem>> -> memref<1x128xi32, #tpu.memory_space<vmem>>
      %dma_wait3A_94 = tpu.memref_squeeze %dma_wait3A_93 : memref<1x128xi32, #tpu.memory_space<vmem>> -> memref<128xi32, #tpu.memory_space<vmem>>
      %dma_wait3A_95 = arith.constant 0 : i32
      %dma_wait3A_96 = arith.constant 0 : i32
      %dma_wait3A_97 = tpu.memref_slice %arg2[%dma_wait3A_95, %dma_wait3A_96] : memref<20224x32xf32, #tpu.memory_space<hbm>> -> memref<20224x32xf32, #tpu.memory_space<hbm>>
      tpu.wait_indirect_dma semaphore(%arg11 : memref<!tpu.dma_semaphore, #tpu.memory_space<semaphore_mem>>) src(%dma_wait3A_97 : memref<20224x32xf32, #tpu.memory_space<hbm>>) dst(%dma_wait3A_91 : memref<128x32xf32, #tpu.memory_space<vmem>>)
      %run_scoped3A_98 = arith.constant 2 : i32
      "tpu.region"() ({
        %run_scoped3A_127 = tpu.sem_alloc : memref<!tpu.dma_semaphore, #tpu.memory_space<semaphore_mem>>
        %dma_start3A_128 = arith.constant 0 : i32
        %dma_start3A_129 = arith.constant 0 : i32
        %dma_start3A_130 = tpu.memref_slice %arg9[%run_scoped3A_98, %dma_start3A_128, %dma_start3A_129] : memref<4x128x32xf32, #tpu.memory_space<vmem>> -> memref<1x128x32xf32, #tpu.memory_space<vmem>>
        %dma_start3A_131 = tpu.memref_squeeze %dma_start3A_130 : memref<1x128x32xf32, #tpu.memory_space<vmem>> -> memref<128x32xf32, #tpu.memory_space<vmem>>
        %dma_start3A_132 = arith.constant 0 : i32
        %dma_start3A_133 = tpu.memref_slice %arg8[%add3A_86, %dma_start3A_132] : memref<316x128xi32, #tpu.memory_space<vmem>> -> memref<1x128xi32, #tpu.memory_space<vmem>>
        %dma_start3A_134 = tpu.memref_squeeze %dma_start3A_133 : memref<1x128xi32, #tpu.memory_space<vmem>> -> memref<128xi32, #tpu.memory_space<vmem>>
        %dma_start3A_135 = arith.constant 0 : i32
        %dma_start3A_136 = arith.constant 0 : i32
        %dma_start3A_137 = tpu.memref_slice %arg10[%dma_start3A_135, %dma_start3A_136] : memref<10112x32xf32, #tpu.memory_space<vmem_shared>> -> memref<10112x32xf32, #tpu.memory_space<vmem_shared>>
        tpu.enqueue_indirect_dma source(%dma_start3A_131 : memref<128x32xf32, #tpu.memory_space<vmem>>) target(%dma_start3A_137 : memref<10112x32xf32, #tpu.memory_space<vmem_shared>>) offsets(%dma_start3A_134 : memref<128xi32, #tpu.memory_space<vmem>>) semaphore(%run_scoped3A_127 : memref<!tpu.dma_semaphore, #tpu.memory_space<semaphore_mem>>) {add = true}
        %dma_wait3A_138 = arith.constant 0 : i32
        %dma_wait3A_139 = arith.constant 0 : i32
        %dma_wait3A_140 = tpu.memref_slice %arg9[%run_scoped3A_98, %dma_wait3A_138, %dma_wait3A_139] : memref<4x128x32xf32, #tpu.memory_space<vmem>> -> memref<1x128x32xf32, #tpu.memory_space<vmem>>
        %dma_wait3A_141 = tpu.memref_squeeze %dma_wait3A_140 : memref<1x128x32xf32, #tpu.memory_space<vmem>> -> memref<128x32xf32, #tpu.memory_space<vmem>>
        %dma_wait3A_142 = arith.constant 0 : i32
        %dma_wait3A_143 = tpu.memref_slice %arg8[%add3A_86, %dma_wait3A_142] : memref<316x128xi32, #tpu.memory_space<vmem>> -> memref<1x128xi32, #tpu.memory_space<vmem>>
        %dma_wait3A_144 = tpu.memref_squeeze %dma_wait3A_143 : memref<1x128xi32, #tpu.memory_space<vmem>> -> memref<128xi32, #tpu.memory_space<vmem>>
        %dma_wait3A_145 = arith.constant 0 : i32
        %dma_wait3A_146 = arith.constant 0 : i32
        %dma_wait3A_147 = tpu.memref_slice %arg10[%dma_wait3A_145, %dma_wait3A_146] : memref<10112x32xf32, #tpu.memory_space<vmem_shared>> -> memref<10112x32xf32, #tpu.memory_space<vmem_shared>>
        tpu.wait_indirect_dma semaphore(%run_scoped3A_127 : memref<!tpu.dma_semaphore, #tpu.memory_space<semaphore_mem>>) src(%dma_wait3A_141 : memref<128x32xf32, #tpu.memory_space<vmem>>) dst(%dma_wait3A_147 : memref<10112x32xf32, #tpu.memory_space<vmem_shared>>)
        tpu.yield
      }) : () -> ()
      %add3A_99 = arith.constant 3 : i32
      %add3A_100 = arith.addi %add3A_86, %add3A_99 : i32
      %lt3A_101 = arith.constant 316 : i32
      %lt3A_102 = arith.cmpi slt, %add3A_100, %lt3A_101 : i32
      %convert_element_type3A_103 = arith.extui %lt3A_102 : i1 to i32
      %cond3A_104 = arith.constant 0 : i32
      %cond3A_105 = arith.cmpi ne, %convert_element_type3A_103, %cond3A_104 : i32
      scf.if %cond3A_105 {
        %dma_start3A_127 = arith.constant 1 : i32
        %dma_start3A_128 = arith.constant 0 : i32
        %dma_start3A_129 = arith.constant 0 : i32
        %dma_start3A_130 = tpu.memref_slice %arg9[%dma_start3A_127, %dma_start3A_128, %dma_start3A_129] : memref<4x128x32xf32, #tpu.memory_space<vmem>> -> memref<1x128x32xf32, #tpu.memory_space<vmem>>
        %dma_start3A_131 = tpu.memref_squeeze %dma_start3A_130 : memref<1x128x32xf32, #tpu.memory_space<vmem>> -> memref<128x32xf32, #tpu.memory_space<vmem>>
        %dma_start3A_132 = arith.constant 0 : i32
        %dma_start3A_133 = tpu.memref_slice %arg7[%add3A_100, %dma_start3A_132] : memref<316x128xi32, #tpu.memory_space<vmem>> -> memref<1x128xi32, #tpu.memory_space<vmem>>
        %dma_start3A_134 = tpu.memref_squeeze %dma_start3A_133 : memref<1x128xi32, #tpu.memory_space<vmem>> -> memref<128xi32, #tpu.memory_space<vmem>>
        %dma_start3A_135 = arith.constant 0 : i32
        %dma_start3A_136 = arith.constant 0 : i32
        %dma_start3A_137 = tpu.memref_slice %arg2[%dma_start3A_135, %dma_start3A_136] : memref<20224x32xf32, #tpu.memory_space<hbm>> -> memref<20224x32xf32, #tpu.memory_space<hbm>>
        tpu.enqueue_indirect_dma source(%dma_start3A_137 : memref<20224x32xf32, #tpu.memory_space<hbm>>) target(%dma_start3A_131 : memref<128x32xf32, #tpu.memory_space<vmem>>) offsets(%dma_start3A_134 : memref<128xi32, #tpu.memory_space<vmem>>) semaphore(%arg11 : memref<!tpu.dma_semaphore, #tpu.memory_space<semaphore_mem>>)
      } else {
      }
      %add3A_106 = arith.constant 3 : i32
      %add3A_107 = arith.addi %add3A_47, %add3A_106 : i32
      %dma_wait3A_108 = arith.constant 3 : i32
      %dma_wait3A_109 = arith.constant 0 : i32
      %dma_wait3A_110 = arith.constant 0 : i32
      %dma_wait3A_111 = tpu.memref_slice %arg9[%dma_wait3A_108, %dma_wait3A_109, %dma_wait3A_110] : memref<4x128x32xf32, #tpu.memory_space<vmem>> -> memref<1x128x32xf32, #tpu.memory_space<vmem>>
      %dma_wait3A_112 = tpu.memref_squeeze %dma_wait3A_111 : memref<1x128x32xf32, #tpu.memory_space<vmem>> -> memref<128x32xf32, #tpu.memory_space<vmem>>
      %dma_wait3A_113 = arith.constant 0 : i32
      %dma_wait3A_114 = tpu.memref_slice %arg7[%add3A_107, %dma_wait3A_113] : memref<316x128xi32, #tpu.memory_space<vmem>> -> memref<1x128xi32, #tpu.memory_space<vmem>>
      %dma_wait3A_115 = tpu.memref_squeeze %dma_wait3A_114 : memref<1x128xi32, #tpu.memory_space<vmem>> -> memref<128xi32, #tpu.memory_space<vmem>>
      %dma_wait3A_116 = arith.constant 0 : i32
      %dma_wait3A_117 = arith.constant 0 : i32
      %dma_wait3A_118 = tpu.memref_slice %arg2[%dma_wait3A_116, %dma_wait3A_117] : memref<20224x32xf32, #tpu.memory_space<hbm>> -> memref<20224x32xf32, #tpu.memory_space<hbm>>
      tpu.wait_indirect_dma semaphore(%arg11 : memref<!tpu.dma_semaphore, #tpu.memory_space<semaphore_mem>>) src(%dma_wait3A_118 : memref<20224x32xf32, #tpu.memory_space<hbm>>) dst(%dma_wait3A_112 : memref<128x32xf32, #tpu.memory_space<vmem>>)
      %run_scoped3A_119 = arith.constant 3 : i32
      "tpu.region"() ({
        %run_scoped3A_127 = tpu.sem_alloc : memref<!tpu.dma_semaphore, #tpu.memory_space<semaphore_mem>>
        %dma_start3A_128 = arith.constant 0 : i32
        %dma_start3A_129 = arith.constant 0 : i32
        %dma_start3A_130 = tpu.memref_slice %arg9[%run_scoped3A_119, %dma_start3A_128, %dma_start3A_129] : memref<4x128x32xf32, #tpu.memory_space<vmem>> -> memref<1x128x32xf32, #tpu.memory_space<vmem>>
        %dma_start3A_131 = tpu.memref_squeeze %dma_start3A_130 : memref<1x128x32xf32, #tpu.memory_space<vmem>> -> memref<128x32xf32, #tpu.memory_space<vmem>>
        %dma_start3A_132 = arith.constant 0 : i32
        %dma_start3A_133 = tpu.memref_slice %arg8[%add3A_107, %dma_start3A_132] : memref<316x128xi32, #tpu.memory_space<vmem>> -> memref<1x128xi32, #tpu.memory_space<vmem>>
        %dma_start3A_134 = tpu.memref_squeeze %dma_start3A_133 : memref<1x128xi32, #tpu.memory_space<vmem>> -> memref<128xi32, #tpu.memory_space<vmem>>
        %dma_start3A_135 = arith.constant 0 : i32
        %dma_start3A_136 = arith.constant 0 : i32
        %dma_start3A_137 = tpu.memref_slice %arg10[%dma_start3A_135, %dma_start3A_136] : memref<10112x32xf32, #tpu.memory_space<vmem_shared>> -> memref<10112x32xf32, #tpu.memory_space<vmem_shared>>
        tpu.enqueue_indirect_dma source(%dma_start3A_131 : memref<128x32xf32, #tpu.memory_space<vmem>>) target(%dma_start3A_137 : memref<10112x32xf32, #tpu.memory_space<vmem_shared>>) offsets(%dma_start3A_134 : memref<128xi32, #tpu.memory_space<vmem>>) semaphore(%run_scoped3A_127 : memref<!tpu.dma_semaphore, #tpu.memory_space<semaphore_mem>>) {add = true}
        %dma_wait3A_138 = arith.constant 0 : i32
        %dma_wait3A_139 = arith.constant 0 : i32
        %dma_wait3A_140 = tpu.memref_slice %arg9[%run_scoped3A_119, %dma_wait3A_138, %dma_wait3A_139] : memref<4x128x32xf32, #tpu.memory_space<vmem>> -> memref<1x128x32xf32, #tpu.memory_space<vmem>>
        %dma_wait3A_141 = tpu.memref_squeeze %dma_wait3A_140 : memref<1x128x32xf32, #tpu.memory_space<vmem>> -> memref<128x32xf32, #tpu.memory_space<vmem>>
        %dma_wait3A_142 = arith.constant 0 : i32
        %dma_wait3A_143 = tpu.memref_slice %arg8[%add3A_107, %dma_wait3A_142] : memref<316x128xi32, #tpu.memory_space<vmem>> -> memref<1x128xi32, #tpu.memory_space<vmem>>
        %dma_wait3A_144 = tpu.memref_squeeze %dma_wait3A_143 : memref<1x128xi32, #tpu.memory_space<vmem>> -> memref<128xi32, #tpu.memory_space<vmem>>
        %dma_wait3A_145 = arith.constant 0 : i32
        %dma_wait3A_146 = arith.constant 0 : i32
        %dma_wait3A_147 = tpu.memref_slice %arg10[%dma_wait3A_145, %dma_wait3A_146] : memref<10112x32xf32, #tpu.memory_space<vmem_shared>> -> memref<10112x32xf32, #tpu.memory_space<vmem_shared>>
        tpu.wait_indirect_dma semaphore(%run_scoped3A_127 : memref<!tpu.dma_semaphore, #tpu.memory_space<semaphore_mem>>) src(%dma_wait3A_141 : memref<128x32xf32, #tpu.memory_space<vmem>>) dst(%dma_wait3A_147 : memref<10112x32xf32, #tpu.memory_space<vmem_shared>>)
        tpu.yield
      }) : () -> ()
      %add3A_120 = arith.constant 3 : i32
      %add3A_121 = arith.addi %add3A_107, %add3A_120 : i32
      %lt3A_122 = arith.constant 316 : i32
      %lt3A_123 = arith.cmpi slt, %add3A_121, %lt3A_122 : i32
      %convert_element_type3A_124 = arith.extui %lt3A_123 : i1 to i32
      %cond3A_125 = arith.constant 0 : i32
      %cond3A_126 = arith.cmpi ne, %convert_element_type3A_124, %cond3A_125 : i32
      scf.if %cond3A_126 {
        %dma_start3A_127 = arith.constant 2 : i32
        %dma_start3A_128 = arith.constant 0 : i32
        %dma_start3A_129 = arith.constant 0 : i32
        %dma_start3A_130 = tpu.memref_slice %arg9[%dma_start3A_127, %dma_start3A_128, %dma_start3A_129] : memref<4x128x32xf32, #tpu.memory_space<vmem>> -> memref<1x128x32xf32, #tpu.memory_space<vmem>>
        %dma_start3A_131 = tpu.memref_squeeze %dma_start3A_130 : memref<1x128x32xf32, #tpu.memory_space<vmem>> -> memref<128x32xf32, #tpu.memory_space<vmem>>
        %dma_start3A_132 = arith.constant 0 : i32
        %dma_start3A_133 = tpu.memref_slice %arg7[%add3A_121, %dma_start3A_132] : memref<316x128xi32, #tpu.memory_space<vmem>> -> memref<1x128xi32, #tpu.memory_space<vmem>>
        %dma_start3A_134 = tpu.memref_squeeze %dma_start3A_133 : memref<1x128xi32, #tpu.memory_space<vmem>> -> memref<128xi32, #tpu.memory_space<vmem>>
        %dma_start3A_135 = arith.constant 0 : i32
        %dma_start3A_136 = arith.constant 0 : i32
        %dma_start3A_137 = tpu.memref_slice %arg2[%dma_start3A_135, %dma_start3A_136] : memref<20224x32xf32, #tpu.memory_space<hbm>> -> memref<20224x32xf32, #tpu.memory_space<hbm>>
        tpu.enqueue_indirect_dma source(%dma_start3A_137 : memref<20224x32xf32, #tpu.memory_space<hbm>>) target(%dma_start3A_131 : memref<128x32xf32, #tpu.memory_space<vmem>>) offsets(%dma_start3A_134 : memref<128xi32, #tpu.memory_space<vmem>>) semaphore(%arg11 : memref<!tpu.dma_semaphore, #tpu.memory_space<semaphore_mem>>)
      } else {
      }
    }
    %scan3A_41 = arith.constant 79 : i32
    %barrier3A_42 = arith.constant 0 : index
    tpu.barrier barrier_id(%barrier3A_42)
    "tpu.region"() ({
      %run_scoped3A = tpu.sem_alloc : memref<!tpu.dma_semaphore, #tpu.memory_space<semaphore_mem>>
      %dma_start3A_43 = arith.constant 0 : i32
      %dma_start3A_44 = tpu.memref_slice %arg6[%arg0, %mul3A_0, %dma_start3A_43] : memref<2x10112x32xf32, #tpu.memory_space<hbm>> -> memref<1x632x32xf32, #tpu.memory_space<hbm>>
      %dma_start3A_45 = tpu.memref_squeeze %dma_start3A_44 : memref<1x632x32xf32, #tpu.memory_space<hbm>> -> memref<632x32xf32, #tpu.memory_space<hbm>>
      %dma_start3A_46 = arith.constant 0 : i32
      %dma_start3A_47 = tpu.memref_slice %arg10[%mul3A_0, %dma_start3A_46] : memref<10112x32xf32, #tpu.memory_space<vmem_shared>> -> memref<632x32xf32, #tpu.memory_space<vmem_shared>>
      tpu.enqueue_dma source(%dma_start3A_47 : memref<632x32xf32, #tpu.memory_space<vmem_shared>>) target(%dma_start3A_45 : memref<632x32xf32, #tpu.memory_space<hbm>>) target_semaphore(%run_scoped3A : memref<!tpu.dma_semaphore, #tpu.memory_space<semaphore_mem>>)
      %dma_wait3A = arith.constant 0 : i32
      %dma_wait3A_48 = tpu.memref_slice %arg6[%arg0, %mul3A_0, %dma_wait3A] : memref<2x10112x32xf32, #tpu.memory_space<hbm>> -> memref<1x632x32xf32, #tpu.memory_space<hbm>>
      %dma_wait3A_49 = tpu.memref_squeeze %dma_wait3A_48 : memref<1x632x32xf32, #tpu.memory_space<hbm>> -> memref<632x32xf32, #tpu.memory_space<hbm>>
      %dma_wait3A_50 = arith.constant 0 : i32
      %dma_wait3A_51 = tpu.memref_slice %arg10[%mul3A_0, %dma_wait3A_50] : memref<10112x32xf32, #tpu.memory_space<vmem_shared>> -> memref<632x32xf32, #tpu.memory_space<vmem_shared>>
      tpu.wait_dma2 semaphore(%run_scoped3A : memref<!tpu.dma_semaphore, #tpu.memory_space<semaphore_mem>>) src(%dma_wait3A_51 : memref<632x32xf32, #tpu.memory_space<vmem_shared>>) dst(%dma_wait3A_49 : memref<632x32xf32, #tpu.memory_space<hbm>>)
      tpu.yield
    }) : () -> ()
    return
  }
}

#map = affine_map<(d0, d1) -> (0, 0)>
#map1 = affine_map<(d0, d1) -> (0, 0, 0)>
module attributes {stable_mosaic.version = 14 : i64} {
  func.func @k(%arg0: i32, %arg1: i32, %arg2: memref<20224x32xf32, #tpu.memory_space<hbm>>, %arg3: memref<32x316x128xi32, #tpu.memory_space<hbm>>, %arg4: memref<16x316x128xi32, #tpu.memory_space<hbm>>, %arg5: memref<632x32xf32, #tpu.memory_space<hbm>>, %arg6: memref<2x10112x32xf32, #tpu.memory_space<hbm>>, %arg7: memref<316x128xi32, #tpu.memory_space<vmem>>, %arg8: memref<316x128xi32, #tpu.memory_space<vmem>>, %arg9: memref<4x128x32xf32, #tpu.memory_space<vmem>>, %arg10: memref<10112x32xf32, #tpu.memory_space<vmem_shared>>, %arg11: memref<!tpu.dma_semaphore, #tpu.memory_space<semaphore_mem>>) attributes {dimension_semantics = [#tpu.dimension_semantics<core_parallel>, #tpu.dimension_semantics<subcore_parallel>], iteration_bounds = array<i64: 2, 16>, scalar_prefetch = 0 : i64, scratch_operands = 5 : i64, tpu.core_type = #tpu.core_type<sc_vector_subcore>, window_params = [{transform_indices = #map}, {transform_indices = #map1}, {transform_indices = #map1}, {transform_indices = #map}, {transform_indices = #map1}]} {
    %mul3A = arith.constant 632 : i32
    %mul3A_0 = arith.muli %arg1, %mul3A : i32
    "tpu.region"() ({
      %run_scoped3A = tpu.sem_alloc : memref<!tpu.dma_semaphore, #tpu.memory_space<semaphore_mem>>
      %dma_start3A_43 = arith.constant 0 : i32
      %dma_start3A_44 = tpu.memref_slice %arg10[%mul3A_0, %dma_start3A_43] : memref<10112x32xf32, #tpu.memory_space<vmem_shared>> -> memref<632x32xf32, #tpu.memory_space<vmem_shared>>
      tpu.enqueue_dma source(%arg5 : memref<632x32xf32, #tpu.memory_space<hbm>>) target(%dma_start3A_44 : memref<632x32xf32, #tpu.memory_space<vmem_shared>>) target_semaphore(%run_scoped3A : memref<!tpu.dma_semaphore, #tpu.memory_space<semaphore_mem>>)
      %dma_wait3A = arith.constant 0 : i32
      %dma_wait3A_45 = tpu.memref_slice %arg10[%mul3A_0, %dma_wait3A] : memref<10112x32xf32, #tpu.memory_space<vmem_shared>> -> memref<632x32xf32, #tpu.memory_space<vmem_shared>>
      tpu.wait_dma2 semaphore(%run_scoped3A : memref<!tpu.dma_semaphore, #tpu.memory_space<semaphore_mem>>) src(%arg5 : memref<632x32xf32, #tpu.memory_space<hbm>>) dst(%dma_wait3A_45 : memref<632x32xf32, #tpu.memory_space<vmem_shared>>)
      tpu.yield
    }) : () -> ()
    %mul3A_1 = arith.constant 16 : i32
    %mul3A_2 = arith.muli %arg0, %mul3A_1 : i32
    %add3A = arith.addi %mul3A_2, %arg1 : i32
    "tpu.region"() ({
      %run_scoped3A = tpu.sem_alloc : memref<!tpu.dma_semaphore, #tpu.memory_space<semaphore_mem>>
      %dma_start3A_43 = arith.constant 0 : i32
      %dma_start3A_44 = arith.constant 0 : i32
      %dma_start3A_45 = tpu.memref_slice %arg3[%add3A, %dma_start3A_43, %dma_start3A_44] : memref<32x316x128xi32, #tpu.memory_space<hbm>> -> memref<1x316x128xi32, #tpu.memory_space<hbm>>
      %dma_start3A_46 = tpu.memref_squeeze %dma_start3A_45 : memref<1x316x128xi32, #tpu.memory_space<hbm>> -> memref<316x128xi32, #tpu.memory_space<hbm>>
      %dma_start3A_47 = arith.constant 0 : i32
      %dma_start3A_48 = arith.constant 0 : i32
      %dma_start3A_49 = tpu.memref_slice %arg3[%add3A, %dma_start3A_47, %dma_start3A_48] : memref<32x316x128xi32, #tpu.memory_space<hbm>> -> memref<1x316x128xi32, #tpu.memory_space<hbm>>
      %dma_start3A_50 = tpu.memref_squeeze %dma_start3A_49 : memref<1x316x128xi32, #tpu.memory_space<hbm>> -> memref<316x128xi32, #tpu.memory_space<hbm>>
      tpu.enqueue_dma source(%dma_start3A_50 : memref<316x128xi32, #tpu.memory_space<hbm>>) target(%arg7 : memref<316x128xi32, #tpu.memory_space<vmem>>) target_semaphore(%run_scoped3A : memref<!tpu.dma_semaphore, #tpu.memory_space<semaphore_mem>>)
      %dma_wait3A = arith.constant 0 : i32
      %dma_wait3A_51 = arith.constant 0 : i32
      %dma_wait3A_52 = tpu.memref_slice %arg3[%add3A, %dma_wait3A, %dma_wait3A_51] : memref<32x316x128xi32, #tpu.memory_space<hbm>> -> memref<1x316x128xi32, #tpu.memory_space<hbm>>
      %dma_wait3A_53 = tpu.memref_squeeze %dma_wait3A_52 : memref<1x316x128xi32, #tpu.memory_space<hbm>> -> memref<316x128xi32, #tpu.memory_space<hbm>>
      %dma_wait3A_54 = arith.constant 0 : i32
      %dma_wait3A_55 = arith.constant 0 : i32
      %dma_wait3A_56 = tpu.memref_slice %arg3[%add3A, %dma_wait3A_54, %dma_wait3A_55] : memref<32x316x128xi32, #tpu.memory_space<hbm>> -> memref<1x316x128xi32, #tpu.memory_space<hbm>>
      %dma_wait3A_57 = tpu.memref_squeeze %dma_wait3A_56 : memref<1x316x128xi32, #tpu.memory_space<hbm>> -> memref<316x128xi32, #tpu.memory_space<hbm>>
      tpu.wait_dma2 semaphore(%run_scoped3A : memref<!tpu.dma_semaphore, #tpu.memory_space<semaphore_mem>>) src(%dma_wait3A_57 : memref<316x128xi32, #tpu.memory_space<hbm>>) dst(%arg7 : memref<316x128xi32, #tpu.memory_space<vmem>>)
      tpu.yield
    }) : () -> ()
    "tpu.region"() ({
      %run_scoped3A = tpu.sem_alloc : memref<!tpu.dma_semaphore, #tpu.memory_space<semaphore_mem>>
      %dma_start3A_43 = arith.constant 0 : i32
      %dma_start3A_44 = arith.constant 0 : i32
      %dma_start3A_45 = tpu.memref_slice %arg4[%arg1, %dma_start3A_43, %dma_start3A_44] : memref<16x316x128xi32, #tpu.memory_space<hbm>> -> memref<1x316x128xi32, #tpu.memory_space<hbm>>
      %dma_start3A_46 = tpu.memref_squeeze %dma_start3A_45 : memref<1x316x128xi32, #tpu.memory_space<hbm>> -> memref<316x128xi32, #tpu.memory_space<hbm>>
      %dma_start3A_47 = arith.constant 0 : i32
      %dma_start3A_48 = arith.constant 0 : i32
      %dma_start3A_49 = tpu.memref_slice %arg4[%arg1, %dma_start3A_47, %dma_start3A_48] : memref<16x316x128xi32, #tpu.memory_space<hbm>> -> memref<1x316x128xi32, #tpu.memory_space<hbm>>
      %dma_start3A_50 = tpu.memref_squeeze %dma_start3A_49 : memref<1x316x128xi32, #tpu.memory_space<hbm>> -> memref<316x128xi32, #tpu.memory_space<hbm>>
      tpu.enqueue_dma source(%dma_start3A_50 : memref<316x128xi32, #tpu.memory_space<hbm>>) target(%arg8 : memref<316x128xi32, #tpu.memory_space<vmem>>) target_semaphore(%run_scoped3A : memref<!tpu.dma_semaphore, #tpu.memory_space<semaphore_mem>>)
      %dma_wait3A = arith.constant 0 : i32
      %dma_wait3A_51 = arith.constant 0 : i32
      %dma_wait3A_52 = tpu.memref_slice %arg4[%arg1, %dma_wait3A, %dma_wait3A_51] : memref<16x316x128xi32, #tpu.memory_space<hbm>> -> memref<1x316x128xi32, #tpu.memory_space<hbm>>
      %dma_wait3A_53 = tpu.memref_squeeze %dma_wait3A_52 : memref<1x316x128xi32, #tpu.memory_space<hbm>> -> memref<316x128xi32, #tpu.memory_space<hbm>>
      %dma_wait3A_54 = arith.constant 0 : i32
      %dma_wait3A_55 = arith.constant 0 : i32
      %dma_wait3A_56 = tpu.memref_slice %arg4[%arg1, %dma_wait3A_54, %dma_wait3A_55] : memref<16x316x128xi32, #tpu.memory_space<hbm>> -> memref<1x316x128xi32, #tpu.memory_space<hbm>>
      %dma_wait3A_57 = tpu.memref_squeeze %dma_wait3A_56 : memref<1x316x128xi32, #tpu.memory_space<hbm>> -> memref<316x128xi32, #tpu.memory_space<hbm>>
      tpu.wait_dma2 semaphore(%run_scoped3A : memref<!tpu.dma_semaphore, #tpu.memory_space<semaphore_mem>>) src(%dma_wait3A_57 : memref<316x128xi32, #tpu.memory_space<hbm>>) dst(%arg8 : memref<316x128xi32, #tpu.memory_space<vmem>>)
      tpu.yield
    }) : () -> ()
    %barrier3A = arith.constant 0 : index
    tpu.barrier barrier_id(%barrier3A)
    %dma_start3A = arith.constant 0 : i32
    %dma_start3A_3 = arith.constant 0 : i32
    %dma_start3A_4 = arith.constant 0 : i32
    %dma_start3A_5 = arith.constant 0 : i32
    %dma_start3A_6 = tpu.memref_slice %arg9[%dma_start3A_3, %dma_start3A_4, %dma_start3A_5] : memref<4x128x32xf32, #tpu.memory_space<vmem>> -> memref<1x128x32xf32, #tpu.memory_space<vmem>>
    %dma_start3A_7 = tpu.memref_squeeze %dma_start3A_6 : memref<1x128x32xf32, #tpu.memory_space<vmem>> -> memref<128x32xf32, #tpu.memory_space<vmem>>
    %dma_start3A_8 = arith.constant 0 : i32
    %dma_start3A_9 = tpu.memref_slice %arg7[%dma_start3A, %dma_start3A_8] : memref<316x128xi32, #tpu.memory_space<vmem>> -> memref<1x128xi32, #tpu.memory_space<vmem>>
    %dma_start3A_10 = tpu.memref_squeeze %dma_start3A_9 : memref<1x128xi32, #tpu.memory_space<vmem>> -> memref<128xi32, #tpu.memory_space<vmem>>
    %dma_start3A_11 = arith.constant 0 : i32
    %dma_start3A_12 = arith.constant 0 : i32
    %dma_start3A_13 = tpu.memref_slice %arg2[%dma_start3A_11, %dma_start3A_12] : memref<20224x32xf32, #tpu.memory_space<hbm>> -> memref<20224x32xf32, #tpu.memory_space<hbm>>
    tpu.enqueue_indirect_dma source(%dma_start3A_13 : memref<20224x32xf32, #tpu.memory_space<hbm>>) target(%dma_start3A_7 : memref<128x32xf32, #tpu.memory_space<vmem>>) offsets(%dma_start3A_10 : memref<128xi32, #tpu.memory_space<vmem>>) semaphore(%arg11 : memref<!tpu.dma_semaphore, #tpu.memory_space<semaphore_mem>>)
    %dma_start3A_14 = arith.constant 1 : i32
    %dma_start3A_15 = arith.constant 1 : i32
    %dma_start3A_16 = arith.constant 0 : i32
    %dma_start3A_17 = arith.constant 0 : i32
    %dma_start3A_18 = tpu.memref_slice %arg9[%dma_start3A_15, %dma_start3A_16, %dma_start3A_17] : memref<4x128x32xf32, #tpu.memory_space<vmem>> -> memref<1x128x32xf32, #tpu.memory_space<vmem>>
    %dma_start3A_19 = tpu.memref_squeeze %dma_start3A_18 : memref<1x128x32xf32, #tpu.memory_space<vmem>> -> memref<128x32xf32, #tpu.memory_space<vmem>>
    %dma_start3A_20 = arith.constant 0 : i32
    %dma_start3A_21 = tpu.memref_slice %arg7[%dma_start3A_14, %dma_start3A_20] : memref<316x128xi32, #tpu.memory_space<vmem>> -> memref<1x128xi32, #tpu.memory_space<vmem>>
    %dma_start3A_22 = tpu.memref_squeeze %dma_start3A_21 : memref<1x128xi32, #tpu.memory_space<vmem>> -> memref<128xi32, #tpu.memory_space<vmem>>
    %dma_start3A_23 = arith.constant 0 : i32
    %dma_start3A_24 = arith.constant 0 : i32
    %dma_start3A_25 = tpu.memref_slice %arg2[%dma_start3A_23, %dma_start3A_24] : memref<20224x32xf32, #tpu.memory_space<hbm>> -> memref<20224x32xf32, #tpu.memory_space<hbm>>
    tpu.enqueue_indirect_dma source(%dma_start3A_25 : memref<20224x32xf32, #tpu.memory_space<hbm>>) target(%dma_start3A_19 : memref<128x32xf32, #tpu.memory_space<vmem>>) offsets(%dma_start3A_22 : memref<128xi32, #tpu.memory_space<vmem>>) semaphore(%arg11 : memref<!tpu.dma_semaphore, #tpu.memory_space<semaphore_mem>>)
    %dma_start3A_26 = arith.constant 2 : i32
    %dma_start3A_27 = arith.constant 2 : i32
    %dma_start3A_28 = arith.constant 0 : i32
    %dma_start3A_29 = arith.constant 0 : i32
    %dma_start3A_30 = tpu.memref_slice %arg9[%dma_start3A_27, %dma_start3A_28, %dma_start3A_29] : memref<4x128x32xf32, #tpu.memory_space<vmem>> -> memref<1x128x32xf32, #tpu.memory_space<vmem>>
    %dma_start3A_31 = tpu.memref_squeeze %dma_start3A_30 : memref<1x128x32xf32, #tpu.memory_space<vmem>> -> memref<128x32xf32, #tpu.memory_space<vmem>>
    %dma_start3A_32 = arith.constant 0 : i32
    %dma_start3A_33 = tpu.memref_slice %arg7[%dma_start3A_26, %dma_start3A_32] : memref<316x128xi32, #tpu.memory_space<vmem>> -> memref<1x128xi32, #tpu.memory_space<vmem>>
    %dma_start3A_34 = tpu.memref_squeeze %dma_start3A_33 : memref<1x128xi32, #tpu.memory_space<vmem>> -> memref<128xi32, #tpu.memory_space<vmem>>
    %dma_start3A_35 = arith.constant 0 : i32
    %dma_start3A_36 = arith.constant 0 : i32
    %dma_start3A_37 = tpu.memref_slice %arg2[%dma_start3A_35, %dma_start3A_36] : memref<20224x32xf32, #tpu.memory_space<hbm>> -> memref<20224x32xf32, #tpu.memory_space<hbm>>
    tpu.enqueue_indirect_dma source(%dma_start3A_37 : memref<20224x32xf32, #tpu.memory_space<hbm>>) target(%dma_start3A_31 : memref<128x32xf32, #tpu.memory_space<vmem>>) offsets(%dma_start3A_34 : memref<128xi32, #tpu.memory_space<vmem>>) semaphore(%arg11 : memref<!tpu.dma_semaphore, #tpu.memory_space<semaphore_mem>>)
    %scan3A = arith.constant 0 : i32
    %scan3A_38 = arith.constant 79 : i32
    %scan3A_39 = arith.addi %scan3A, %scan3A_38 : i32
    %scan3A_40 = arith.constant 1 : i32
    scf.for %scan3A_43 = %scan3A to %scan3A_39 step %scan3A_40  : i32 {
      %mul3A_44 = arith.constant 4 : i32
      %mul3A_45 = arith.muli %scan3A_43, %mul3A_44 : i32
      %add3A_46 = arith.constant 0 : i32
      %add3A_47 = arith.addi %add3A_46, %mul3A_45 : i32
      %add3A_48 = arith.constant 0 : i32
      %add3A_49 = arith.addi %add3A_47, %add3A_48 : i32
      %dma_wait3A = arith.constant 0 : i32
      %dma_wait3A_50 = arith.constant 0 : i32
      %dma_wait3A_51 = arith.constant 0 : i32
      %dma_wait3A_52 = tpu.memref_slice %arg9[%dma_wait3A, %dma_wait3A_50, %dma_wait3A_51] : memref<4x128x32xf32, #tpu.memory_space<vmem>> -> memref<1x128x32xf32, #tpu.memory_space<vmem>>
      %dma_wait3A_53 = tpu.memref_squeeze %dma_wait3A_52 : memref<1x128x32xf32, #tpu.memory_space<vmem>> -> memref<128x32xf32, #tpu.memory_space<vmem>>
      %dma_wait3A_54 = arith.constant 0 : i32
      %dma_wait3A_55 = tpu.memref_slice %arg7[%add3A_49, %dma_wait3A_54] : memref<316x128xi32, #tpu.memory_space<vmem>> -> memref<1x128xi32, #tpu.memory_space<vmem>>
      %dma_wait3A_56 = tpu.memref_squeeze %dma_wait3A_55 : memref<1x128xi32, #tpu.memory_space<vmem>> -> memref<128xi32, #tpu.memory_space<vmem>>
      %dma_wait3A_57 = arith.constant 0 : i32
      %dma_wait3A_58 = arith.constant 0 : i32
      %dma_wait3A_59 = tpu.memref_slice %arg2[%dma_wait3A_57, %dma_wait3A_58] : memref<20224x32xf32, #tpu.memory_space<hbm>> -> memref<20224x32xf32, #tpu.memory_space<hbm>>
      tpu.wait_indirect_dma semaphore(%arg11 : memref<!tpu.dma_semaphore, #tpu.memory_space<semaphore_mem>>) src(%dma_wait3A_59 : memref<20224x32xf32, #tpu.memory_space<hbm>>) dst(%dma_wait3A_53 : memref<128x32xf32, #tpu.memory_space<vmem>>)
      %run_scoped3A = arith.constant 0 : i32
      "tpu.region"() ({
        %run_scoped3A_127 = tpu.sem_alloc : memref<!tpu.dma_semaphore, #tpu.memory_space<semaphore_mem>>
        %dma_start3A_128 = arith.constant 0 : i32
        %dma_start3A_129 = arith.constant 0 : i32
        %dma_start3A_130 = tpu.memref_slice %arg9[%run_scoped3A, %dma_start3A_128, %dma_start3A_129] : memref<4x128x32xf32, #tpu.memory_space<vmem>> -> memref<1x128x32xf32, #tpu.memory_space<vmem>>
        %dma_start3A_131 = tpu.memref_squeeze %dma_start3A_130 : memref<1x128x32xf32, #tpu.memory_space<vmem>> -> memref<128x32xf32, #tpu.memory_space<vmem>>
        %dma_start3A_132 = arith.constant 0 : i32
        %dma_start3A_133 = tpu.memref_slice %arg8[%add3A_49, %dma_start3A_132] : memref<316x128xi32, #tpu.memory_space<vmem>> -> memref<1x128xi32, #tpu.memory_space<vmem>>
        %dma_start3A_134 = tpu.memref_squeeze %dma_start3A_133 : memref<1x128xi32, #tpu.memory_space<vmem>> -> memref<128xi32, #tpu.memory_space<vmem>>
        %dma_start3A_135 = arith.constant 0 : i32
        %dma_start3A_136 = arith.constant 0 : i32
        %dma_start3A_137 = tpu.memref_slice %arg10[%dma_start3A_135, %dma_start3A_136] : memref<10112x32xf32, #tpu.memory_space<vmem_shared>> -> memref<10112x32xf32, #tpu.memory_space<vmem_shared>>
        tpu.enqueue_indirect_dma source(%dma_start3A_131 : memref<128x32xf32, #tpu.memory_space<vmem>>) target(%dma_start3A_137 : memref<10112x32xf32, #tpu.memory_space<vmem_shared>>) offsets(%dma_start3A_134 : memref<128xi32, #tpu.memory_space<vmem>>) semaphore(%run_scoped3A_127 : memref<!tpu.dma_semaphore, #tpu.memory_space<semaphore_mem>>) {add = true}
        %dma_wait3A_138 = arith.constant 0 : i32
        %dma_wait3A_139 = arith.constant 0 : i32
        %dma_wait3A_140 = tpu.memref_slice %arg9[%run_scoped3A, %dma_wait3A_138, %dma_wait3A_139] : memref<4x128x32xf32, #tpu.memory_space<vmem>> -> memref<1x128x32xf32, #tpu.memory_space<vmem>>
        %dma_wait3A_141 = tpu.memref_squeeze %dma_wait3A_140 : memref<1x128x32xf32, #tpu.memory_space<vmem>> -> memref<128x32xf32, #tpu.memory_space<vmem>>
        %dma_wait3A_142 = arith.constant 0 : i32
        %dma_wait3A_143 = tpu.memref_slice %arg8[%add3A_49, %dma_wait3A_142] : memref<316x128xi32, #tpu.memory_space<vmem>> -> memref<1x128xi32, #tpu.memory_space<vmem>>
        %dma_wait3A_144 = tpu.memref_squeeze %dma_wait3A_143 : memref<1x128xi32, #tpu.memory_space<vmem>> -> memref<128xi32, #tpu.memory_space<vmem>>
        %dma_wait3A_145 = arith.constant 0 : i32
        %dma_wait3A_146 = arith.constant 0 : i32
        %dma_wait3A_147 = tpu.memref_slice %arg10[%dma_wait3A_145, %dma_wait3A_146] : memref<10112x32xf32, #tpu.memory_space<vmem_shared>> -> memref<10112x32xf32, #tpu.memory_space<vmem_shared>>
        tpu.wait_indirect_dma semaphore(%run_scoped3A_127 : memref<!tpu.dma_semaphore, #tpu.memory_space<semaphore_mem>>) src(%dma_wait3A_141 : memref<128x32xf32, #tpu.memory_space<vmem>>) dst(%dma_wait3A_147 : memref<10112x32xf32, #tpu.memory_space<vmem_shared>>)
        tpu.yield
      }) : () -> ()
      %add3A_60 = arith.constant 3 : i32
      %add3A_61 = arith.addi %add3A_49, %add3A_60 : i32
      %lt3A = arith.constant 316 : i32
      %lt3A_62 = arith.cmpi slt, %add3A_61, %lt3A : i32
      %convert_element_type3A = arith.extui %lt3A_62 : i1 to i32
      %cond3A = arith.constant 0 : i32
      %cond3A_63 = arith.cmpi ne, %convert_element_type3A, %cond3A : i32
      scf.if %cond3A_63 {
        %dma_start3A_127 = arith.constant 3 : i32
        %dma_start3A_128 = arith.constant 0 : i32
        %dma_start3A_129 = arith.constant 0 : i32
        %dma_start3A_130 = tpu.memref_slice %arg9[%dma_start3A_127, %dma_start3A_128, %dma_start3A_129] : memref<4x128x32xf32, #tpu.memory_space<vmem>> -> memref<1x128x32xf32, #tpu.memory_space<vmem>>
        %dma_start3A_131 = tpu.memref_squeeze %dma_start3A_130 : memref<1x128x32xf32, #tpu.memory_space<vmem>> -> memref<128x32xf32, #tpu.memory_space<vmem>>
        %dma_start3A_132 = arith.constant 0 : i32
        %dma_start3A_133 = tpu.memref_slice %arg7[%add3A_61, %dma_start3A_132] : memref<316x128xi32, #tpu.memory_space<vmem>> -> memref<1x128xi32, #tpu.memory_space<vmem>>
        %dma_start3A_134 = tpu.memref_squeeze %dma_start3A_133 : memref<1x128xi32, #tpu.memory_space<vmem>> -> memref<128xi32, #tpu.memory_space<vmem>>
        %dma_start3A_135 = arith.constant 0 : i32
        %dma_start3A_136 = arith.constant 0 : i32
        %dma_start3A_137 = tpu.memref_slice %arg2[%dma_start3A_135, %dma_start3A_136] : memref<20224x32xf32, #tpu.memory_space<hbm>> -> memref<20224x32xf32, #tpu.memory_space<hbm>>
        tpu.enqueue_indirect_dma source(%dma_start3A_137 : memref<20224x32xf32, #tpu.memory_space<hbm>>) target(%dma_start3A_131 : memref<128x32xf32, #tpu.memory_space<vmem>>) offsets(%dma_start3A_134 : memref<128xi32, #tpu.memory_space<vmem>>) semaphore(%arg11 : memref<!tpu.dma_semaphore, #tpu.memory_space<semaphore_mem>>)
      } else {
      }
      %add3A_64 = arith.constant 1 : i32
      %add3A_65 = arith.addi %add3A_47, %add3A_64 : i32
      %dma_wait3A_66 = arith.constant 1 : i32
      %dma_wait3A_67 = arith.constant 0 : i32
      %dma_wait3A_68 = arith.constant 0 : i32
      %dma_wait3A_69 = tpu.memref_slice %arg9[%dma_wait3A_66, %dma_wait3A_67, %dma_wait3A_68] : memref<4x128x32xf32, #tpu.memory_space<vmem>> -> memref<1x128x32xf32, #tpu.memory_space<vmem>>
      %dma_wait3A_70 = tpu.memref_squeeze %dma_wait3A_69 : memref<1x128x32xf32, #tpu.memory_space<vmem>> -> memref<128x32xf32, #tpu.memory_space<vmem>>
      %dma_wait3A_71 = arith.constant 0 : i32
      %dma_wait3A_72 = tpu.memref_slice %arg7[%add3A_65, %dma_wait3A_71] : memref<316x128xi32, #tpu.memory_space<vmem>> -> memref<1x128xi32, #tpu.memory_space<vmem>>
      %dma_wait3A_73 = tpu.memref_squeeze %dma_wait3A_72 : memref<1x128xi32, #tpu.memory_space<vmem>> -> memref<128xi32, #tpu.memory_space<vmem>>
      %dma_wait3A_74 = arith.constant 0 : i32
      %dma_wait3A_75 = arith.constant 0 : i32
      %dma_wait3A_76 = tpu.memref_slice %arg2[%dma_wait3A_74, %dma_wait3A_75] : memref<20224x32xf32, #tpu.memory_space<hbm>> -> memref<20224x32xf32, #tpu.memory_space<hbm>>
      tpu.wait_indirect_dma semaphore(%arg11 : memref<!tpu.dma_semaphore, #tpu.memory_space<semaphore_mem>>) src(%dma_wait3A_76 : memref<20224x32xf32, #tpu.memory_space<hbm>>) dst(%dma_wait3A_70 : memref<128x32xf32, #tpu.memory_space<vmem>>)
      %run_scoped3A_77 = arith.constant 1 : i32
      "tpu.region"() ({
        %run_scoped3A_127 = tpu.sem_alloc : memref<!tpu.dma_semaphore, #tpu.memory_space<semaphore_mem>>
        %dma_start3A_128 = arith.constant 0 : i32
        %dma_start3A_129 = arith.constant 0 : i32
        %dma_start3A_130 = tpu.memref_slice %arg9[%run_scoped3A_77, %dma_start3A_128, %dma_start3A_129] : memref<4x128x32xf32, #tpu.memory_space<vmem>> -> memref<1x128x32xf32, #tpu.memory_space<vmem>>
        %dma_start3A_131 = tpu.memref_squeeze %dma_start3A_130 : memref<1x128x32xf32, #tpu.memory_space<vmem>> -> memref<128x32xf32, #tpu.memory_space<vmem>>
        %dma_start3A_132 = arith.constant 0 : i32
        %dma_start3A_133 = tpu.memref_slice %arg8[%add3A_65, %dma_start3A_132] : memref<316x128xi32, #tpu.memory_space<vmem>> -> memref<1x128xi32, #tpu.memory_space<vmem>>
        %dma_start3A_134 = tpu.memref_squeeze %dma_start3A_133 : memref<1x128xi32, #tpu.memory_space<vmem>> -> memref<128xi32, #tpu.memory_space<vmem>>
        %dma_start3A_135 = arith.constant 0 : i32
        %dma_start3A_136 = arith.constant 0 : i32
        %dma_start3A_137 = tpu.memref_slice %arg10[%dma_start3A_135, %dma_start3A_136] : memref<10112x32xf32, #tpu.memory_space<vmem_shared>> -> memref<10112x32xf32, #tpu.memory_space<vmem_shared>>
        tpu.enqueue_indirect_dma source(%dma_start3A_131 : memref<128x32xf32, #tpu.memory_space<vmem>>) target(%dma_start3A_137 : memref<10112x32xf32, #tpu.memory_space<vmem_shared>>) offsets(%dma_start3A_134 : memref<128xi32, #tpu.memory_space<vmem>>) semaphore(%run_scoped3A_127 : memref<!tpu.dma_semaphore, #tpu.memory_space<semaphore_mem>>) {add = true}
        %dma_wait3A_138 = arith.constant 0 : i32
        %dma_wait3A_139 = arith.constant 0 : i32
        %dma_wait3A_140 = tpu.memref_slice %arg9[%run_scoped3A_77, %dma_wait3A_138, %dma_wait3A_139] : memref<4x128x32xf32, #tpu.memory_space<vmem>> -> memref<1x128x32xf32, #tpu.memory_space<vmem>>
        %dma_wait3A_141 = tpu.memref_squeeze %dma_wait3A_140 : memref<1x128x32xf32, #tpu.memory_space<vmem>> -> memref<128x32xf32, #tpu.memory_space<vmem>>
        %dma_wait3A_142 = arith.constant 0 : i32
        %dma_wait3A_143 = tpu.memref_slice %arg8[%add3A_65, %dma_wait3A_142] : memref<316x128xi32, #tpu.memory_space<vmem>> -> memref<1x128xi32, #tpu.memory_space<vmem>>
        %dma_wait3A_144 = tpu.memref_squeeze %dma_wait3A_143 : memref<1x128xi32, #tpu.memory_space<vmem>> -> memref<128xi32, #tpu.memory_space<vmem>>
        %dma_wait3A_145 = arith.constant 0 : i32
        %dma_wait3A_146 = arith.constant 0 : i32
        %dma_wait3A_147 = tpu.memref_slice %arg10[%dma_wait3A_145, %dma_wait3A_146] : memref<10112x32xf32, #tpu.memory_space<vmem_shared>> -> memref<10112x32xf32, #tpu.memory_space<vmem_shared>>
        tpu.wait_indirect_dma semaphore(%run_scoped3A_127 : memref<!tpu.dma_semaphore, #tpu.memory_space<semaphore_mem>>) src(%dma_wait3A_141 : memref<128x32xf32, #tpu.memory_space<vmem>>) dst(%dma_wait3A_147 : memref<10112x32xf32, #tpu.memory_space<vmem_shared>>)
        tpu.yield
      }) : () -> ()
      %add3A_78 = arith.constant 3 : i32
      %add3A_79 = arith.addi %add3A_65, %add3A_78 : i32
      %lt3A_80 = arith.constant 316 : i32
      %lt3A_81 = arith.cmpi slt, %add3A_79, %lt3A_80 : i32
      %convert_element_type3A_82 = arith.extui %lt3A_81 : i1 to i32
      %cond3A_83 = arith.constant 0 : i32
      %cond3A_84 = arith.cmpi ne, %convert_element_type3A_82, %cond3A_83 : i32
      scf.if %cond3A_84 {
        %dma_start3A_127 = arith.constant 0 : i32
        %dma_start3A_128 = arith.constant 0 : i32
        %dma_start3A_129 = arith.constant 0 : i32
        %dma_start3A_130 = tpu.memref_slice %arg9[%dma_start3A_127, %dma_start3A_128, %dma_start3A_129] : memref<4x128x32xf32, #tpu.memory_space<vmem>> -> memref<1x128x32xf32, #tpu.memory_space<vmem>>
        %dma_start3A_131 = tpu.memref_squeeze %dma_start3A_130 : memref<1x128x32xf32, #tpu.memory_space<vmem>> -> memref<128x32xf32, #tpu.memory_space<vmem>>
        %dma_start3A_132 = arith.constant 0 : i32
        %dma_start3A_133 = tpu.memref_slice %arg7[%add3A_79, %dma_start3A_132] : memref<316x128xi32, #tpu.memory_space<vmem>> -> memref<1x128xi32, #tpu.memory_space<vmem>>
        %dma_start3A_134 = tpu.memref_squeeze %dma_start3A_133 : memref<1x128xi32, #tpu.memory_space<vmem>> -> memref<128xi32, #tpu.memory_space<vmem>>
        %dma_start3A_135 = arith.constant 0 : i32
        %dma_start3A_136 = arith.constant 0 : i32
        %dma_start3A_137 = tpu.memref_slice %arg2[%dma_start3A_135, %dma_start3A_136] : memref<20224x32xf32, #tpu.memory_space<hbm>> -> memref<20224x32xf32, #tpu.memory_space<hbm>>
        tpu.enqueue_indirect_dma source(%dma_start3A_137 : memref<20224x32xf32, #tpu.memory_space<hbm>>) target(%dma_start3A_131 : memref<128x32xf32, #tpu.memory_space<vmem>>) offsets(%dma_start3A_134 : memref<128xi32, #tpu.memory_space<vmem>>) semaphore(%arg11 : memref<!tpu.dma_semaphore, #tpu.memory_space<semaphore_mem>>)
      } else {
      }
      %add3A_85 = arith.constant 2 : i32
      %add3A_86 = arith.addi %add3A_47, %add3A_85 : i32
      %dma_wait3A_87 = arith.constant 2 : i32
      %dma_wait3A_88 = arith.constant 0 : i32
      %dma_wait3A_89 = arith.constant 0 : i32
      %dma_wait3A_90 = tpu.memref_slice %arg9[%dma_wait3A_87, %dma_wait3A_88, %dma_wait3A_89] : memref<4x128x32xf32, #tpu.memory_space<vmem>> -> memref<1x128x32xf32, #tpu.memory_space<vmem>>
      %dma_wait3A_91 = tpu.memref_squeeze %dma_wait3A_90 : memref<1x128x32xf32, #tpu.memory_space<vmem>> -> memref<128x32xf32, #tpu.memory_space<vmem>>
      %dma_wait3A_92 = arith.constant 0 : i32
      %dma_wait3A_93 = tpu.memref_slice %arg7[%add3A_86, %dma_wait3A_92] : memref<316x128xi32, #tpu.memory_space<vmem>> -> memref<1x128xi32, #tpu.memory_space<vmem>>
      %dma_wait3A_94 = tpu.memref_squeeze %dma_wait3A_93 : memref<1x128xi32, #tpu.memory_space<vmem>> -> memref<128xi32, #tpu.memory_space<vmem>>
      %dma_wait3A_95 = arith.constant 0 : i32
      %dma_wait3A_96 = arith.constant 0 : i32
      %dma_wait3A_97 = tpu.memref_slice %arg2[%dma_wait3A_95, %dma_wait3A_96] : memref<20224x32xf32, #tpu.memory_space<hbm>> -> memref<20224x32xf32, #tpu.memory_space<hbm>>
      tpu.wait_indirect_dma semaphore(%arg11 : memref<!tpu.dma_semaphore, #tpu.memory_space<semaphore_mem>>) src(%dma_wait3A_97 : memref<20224x32xf32, #tpu.memory_space<hbm>>) dst(%dma_wait3A_91 : memref<128x32xf32, #tpu.memory_space<vmem>>)
      %run_scoped3A_98 = arith.constant 2 : i32
      "tpu.region"() ({
        %run_scoped3A_127 = tpu.sem_alloc : memref<!tpu.dma_semaphore, #tpu.memory_space<semaphore_mem>>
        %dma_start3A_128 = arith.constant 0 : i32
        %dma_start3A_129 = arith.constant 0 : i32
        %dma_start3A_130 = tpu.memref_slice %arg9[%run_scoped3A_98, %dma_start3A_128, %dma_start3A_129] : memref<4x128x32xf32, #tpu.memory_space<vmem>> -> memref<1x128x32xf32, #tpu.memory_space<vmem>>
        %dma_start3A_131 = tpu.memref_squeeze %dma_start3A_130 : memref<1x128x32xf32, #tpu.memory_space<vmem>> -> memref<128x32xf32, #tpu.memory_space<vmem>>
        %dma_start3A_132 = arith.constant 0 : i32
        %dma_start3A_133 = tpu.memref_slice %arg8[%add3A_86, %dma_start3A_132] : memref<316x128xi32, #tpu.memory_space<vmem>> -> memref<1x128xi32, #tpu.memory_space<vmem>>
        %dma_start3A_134 = tpu.memref_squeeze %dma_start3A_133 : memref<1x128xi32, #tpu.memory_space<vmem>> -> memref<128xi32, #tpu.memory_space<vmem>>
        %dma_start3A_135 = arith.constant 0 : i32
        %dma_start3A_136 = arith.constant 0 : i32
        %dma_start3A_137 = tpu.memref_slice %arg10[%dma_start3A_135, %dma_start3A_136] : memref<10112x32xf32, #tpu.memory_space<vmem_shared>> -> memref<10112x32xf32, #tpu.memory_space<vmem_shared>>
        tpu.enqueue_indirect_dma source(%dma_start3A_131 : memref<128x32xf32, #tpu.memory_space<vmem>>) target(%dma_start3A_137 : memref<10112x32xf32, #tpu.memory_space<vmem_shared>>) offsets(%dma_start3A_134 : memref<128xi32, #tpu.memory_space<vmem>>) semaphore(%run_scoped3A_127 : memref<!tpu.dma_semaphore, #tpu.memory_space<semaphore_mem>>) {add = true}
        %dma_wait3A_138 = arith.constant 0 : i32
        %dma_wait3A_139 = arith.constant 0 : i32
        %dma_wait3A_140 = tpu.memref_slice %arg9[%run_scoped3A_98, %dma_wait3A_138, %dma_wait3A_139] : memref<4x128x32xf32, #tpu.memory_space<vmem>> -> memref<1x128x32xf32, #tpu.memory_space<vmem>>
        %dma_wait3A_141 = tpu.memref_squeeze %dma_wait3A_140 : memref<1x128x32xf32, #tpu.memory_space<vmem>> -> memref<128x32xf32, #tpu.memory_space<vmem>>
        %dma_wait3A_142 = arith.constant 0 : i32
        %dma_wait3A_143 = tpu.memref_slice %arg8[%add3A_86, %dma_wait3A_142] : memref<316x128xi32, #tpu.memory_space<vmem>> -> memref<1x128xi32, #tpu.memory_space<vmem>>
        %dma_wait3A_144 = tpu.memref_squeeze %dma_wait3A_143 : memref<1x128xi32, #tpu.memory_space<vmem>> -> memref<128xi32, #tpu.memory_space<vmem>>
        %dma_wait3A_145 = arith.constant 0 : i32
        %dma_wait3A_146 = arith.constant 0 : i32
        %dma_wait3A_147 = tpu.memref_slice %arg10[%dma_wait3A_145, %dma_wait3A_146] : memref<10112x32xf32, #tpu.memory_space<vmem_shared>> -> memref<10112x32xf32, #tpu.memory_space<vmem_shared>>
        tpu.wait_indirect_dma semaphore(%run_scoped3A_127 : memref<!tpu.dma_semaphore, #tpu.memory_space<semaphore_mem>>) src(%dma_wait3A_141 : memref<128x32xf32, #tpu.memory_space<vmem>>) dst(%dma_wait3A_147 : memref<10112x32xf32, #tpu.memory_space<vmem_shared>>)
        tpu.yield
      }) : () -> ()
      %add3A_99 = arith.constant 3 : i32
      %add3A_100 = arith.addi %add3A_86, %add3A_99 : i32
      %lt3A_101 = arith.constant 316 : i32
      %lt3A_102 = arith.cmpi slt, %add3A_100, %lt3A_101 : i32
      %convert_element_type3A_103 = arith.extui %lt3A_102 : i1 to i32
      %cond3A_104 = arith.constant 0 : i32
      %cond3A_105 = arith.cmpi ne, %convert_element_type3A_103, %cond3A_104 : i32
      scf.if %cond3A_105 {
        %dma_start3A_127 = arith.constant 1 : i32
        %dma_start3A_128 = arith.constant 0 : i32
        %dma_start3A_129 = arith.constant 0 : i32
        %dma_start3A_130 = tpu.memref_slice %arg9[%dma_start3A_127, %dma_start3A_128, %dma_start3A_129] : memref<4x128x32xf32, #tpu.memory_space<vmem>> -> memref<1x128x32xf32, #tpu.memory_space<vmem>>
        %dma_start3A_131 = tpu.memref_squeeze %dma_start3A_130 : memref<1x128x32xf32, #tpu.memory_space<vmem>> -> memref<128x32xf32, #tpu.memory_space<vmem>>
        %dma_start3A_132 = arith.constant 0 : i32
        %dma_start3A_133 = tpu.memref_slice %arg7[%add3A_100, %dma_start3A_132] : memref<316x128xi32, #tpu.memory_space<vmem>> -> memref<1x128xi32, #tpu.memory_space<vmem>>
        %dma_start3A_134 = tpu.memref_squeeze %dma_start3A_133 : memref<1x128xi32, #tpu.memory_space<vmem>> -> memref<128xi32, #tpu.memory_space<vmem>>
        %dma_start3A_135 = arith.constant 0 : i32
        %dma_start3A_136 = arith.constant 0 : i32
        %dma_start3A_137 = tpu.memref_slice %arg2[%dma_start3A_135, %dma_start3A_136] : memref<20224x32xf32, #tpu.memory_space<hbm>> -> memref<20224x32xf32, #tpu.memory_space<hbm>>
        tpu.enqueue_indirect_dma source(%dma_start3A_137 : memref<20224x32xf32, #tpu.memory_space<hbm>>) target(%dma_start3A_131 : memref<128x32xf32, #tpu.memory_space<vmem>>) offsets(%dma_start3A_134 : memref<128xi32, #tpu.memory_space<vmem>>) semaphore(%arg11 : memref<!tpu.dma_semaphore, #tpu.memory_space<semaphore_mem>>)
      } else {
      }
      %add3A_106 = arith.constant 3 : i32
      %add3A_107 = arith.addi %add3A_47, %add3A_106 : i32
      %dma_wait3A_108 = arith.constant 3 : i32
      %dma_wait3A_109 = arith.constant 0 : i32
      %dma_wait3A_110 = arith.constant 0 : i32
      %dma_wait3A_111 = tpu.memref_slice %arg9[%dma_wait3A_108, %dma_wait3A_109, %dma_wait3A_110] : memref<4x128x32xf32, #tpu.memory_space<vmem>> -> memref<1x128x32xf32, #tpu.memory_space<vmem>>
      %dma_wait3A_112 = tpu.memref_squeeze %dma_wait3A_111 : memref<1x128x32xf32, #tpu.memory_space<vmem>> -> memref<128x32xf32, #tpu.memory_space<vmem>>
      %dma_wait3A_113 = arith.constant 0 : i32
      %dma_wait3A_114 = tpu.memref_slice %arg7[%add3A_107, %dma_wait3A_113] : memref<316x128xi32, #tpu.memory_space<vmem>> -> memref<1x128xi32, #tpu.memory_space<vmem>>
      %dma_wait3A_115 = tpu.memref_squeeze %dma_wait3A_114 : memref<1x128xi32, #tpu.memory_space<vmem>> -> memref<128xi32, #tpu.memory_space<vmem>>
      %dma_wait3A_116 = arith.constant 0 : i32
      %dma_wait3A_117 = arith.constant 0 : i32
      %dma_wait3A_118 = tpu.memref_slice %arg2[%dma_wait3A_116, %dma_wait3A_117] : memref<20224x32xf32, #tpu.memory_space<hbm>> -> memref<20224x32xf32, #tpu.memory_space<hbm>>
      tpu.wait_indirect_dma semaphore(%arg11 : memref<!tpu.dma_semaphore, #tpu.memory_space<semaphore_mem>>) src(%dma_wait3A_118 : memref<20224x32xf32, #tpu.memory_space<hbm>>) dst(%dma_wait3A_112 : memref<128x32xf32, #tpu.memory_space<vmem>>)
      %run_scoped3A_119 = arith.constant 3 : i32
      "tpu.region"() ({
        %run_scoped3A_127 = tpu.sem_alloc : memref<!tpu.dma_semaphore, #tpu.memory_space<semaphore_mem>>
        %dma_start3A_128 = arith.constant 0 : i32
        %dma_start3A_129 = arith.constant 0 : i32
        %dma_start3A_130 = tpu.memref_slice %arg9[%run_scoped3A_119, %dma_start3A_128, %dma_start3A_129] : memref<4x128x32xf32, #tpu.memory_space<vmem>> -> memref<1x128x32xf32, #tpu.memory_space<vmem>>
        %dma_start3A_131 = tpu.memref_squeeze %dma_start3A_130 : memref<1x128x32xf32, #tpu.memory_space<vmem>> -> memref<128x32xf32, #tpu.memory_space<vmem>>
        %dma_start3A_132 = arith.constant 0 : i32
        %dma_start3A_133 = tpu.memref_slice %arg8[%add3A_107, %dma_start3A_132] : memref<316x128xi32, #tpu.memory_space<vmem>> -> memref<1x128xi32, #tpu.memory_space<vmem>>
        %dma_start3A_134 = tpu.memref_squeeze %dma_start3A_133 : memref<1x128xi32, #tpu.memory_space<vmem>> -> memref<128xi32, #tpu.memory_space<vmem>>
        %dma_start3A_135 = arith.constant 0 : i32
        %dma_start3A_136 = arith.constant 0 : i32
        %dma_start3A_137 = tpu.memref_slice %arg10[%dma_start3A_135, %dma_start3A_136] : memref<10112x32xf32, #tpu.memory_space<vmem_shared>> -> memref<10112x32xf32, #tpu.memory_space<vmem_shared>>
        tpu.enqueue_indirect_dma source(%dma_start3A_131 : memref<128x32xf32, #tpu.memory_space<vmem>>) target(%dma_start3A_137 : memref<10112x32xf32, #tpu.memory_space<vmem_shared>>) offsets(%dma_start3A_134 : memref<128xi32, #tpu.memory_space<vmem>>) semaphore(%run_scoped3A_127 : memref<!tpu.dma_semaphore, #tpu.memory_space<semaphore_mem>>) {add = true}
        %dma_wait3A_138 = arith.constant 0 : i32
        %dma_wait3A_139 = arith.constant 0 : i32
        %dma_wait3A_140 = tpu.memref_slice %arg9[%run_scoped3A_119, %dma_wait3A_138, %dma_wait3A_139] : memref<4x128x32xf32, #tpu.memory_space<vmem>> -> memref<1x128x32xf32, #tpu.memory_space<vmem>>
        %dma_wait3A_141 = tpu.memref_squeeze %dma_wait3A_140 : memref<1x128x32xf32, #tpu.memory_space<vmem>> -> memref<128x32xf32, #tpu.memory_space<vmem>>
        %dma_wait3A_142 = arith.constant 0 : i32
        %dma_wait3A_143 = tpu.memref_slice %arg8[%add3A_107, %dma_wait3A_142] : memref<316x128xi32, #tpu.memory_space<vmem>> -> memref<1x128xi32, #tpu.memory_space<vmem>>
        %dma_wait3A_144 = tpu.memref_squeeze %dma_wait3A_143 : memref<1x128xi32, #tpu.memory_space<vmem>> -> memref<128xi32, #tpu.memory_space<vmem>>
        %dma_wait3A_145 = arith.constant 0 : i32
        %dma_wait3A_146 = arith.constant 0 : i32
        %dma_wait3A_147 = tpu.memref_slice %arg10[%dma_wait3A_145, %dma_wait3A_146] : memref<10112x32xf32, #tpu.memory_space<vmem_shared>> -> memref<10112x32xf32, #tpu.memory_space<vmem_shared>>
        tpu.wait_indirect_dma semaphore(%run_scoped3A_127 : memref<!tpu.dma_semaphore, #tpu.memory_space<semaphore_mem>>) src(%dma_wait3A_141 : memref<128x32xf32, #tpu.memory_space<vmem>>) dst(%dma_wait3A_147 : memref<10112x32xf32, #tpu.memory_space<vmem_shared>>)
        tpu.yield
      }) : () -> ()
      %add3A_120 = arith.constant 3 : i32
      %add3A_121 = arith.addi %add3A_107, %add3A_120 : i32
      %lt3A_122 = arith.constant 316 : i32
      %lt3A_123 = arith.cmpi slt, %add3A_121, %lt3A_122 : i32
      %convert_element_type3A_124 = arith.extui %lt3A_123 : i1 to i32
      %cond3A_125 = arith.constant 0 : i32
      %cond3A_126 = arith.cmpi ne, %convert_element_type3A_124, %cond3A_125 : i32
      scf.if %cond3A_126 {
        %dma_start3A_127 = arith.constant 2 : i32
        %dma_start3A_128 = arith.constant 0 : i32
        %dma_start3A_129 = arith.constant 0 : i32
        %dma_start3A_130 = tpu.memref_slice %arg9[%dma_start3A_127, %dma_start3A_128, %dma_start3A_129] : memref<4x128x32xf32, #tpu.memory_space<vmem>> -> memref<1x128x32xf32, #tpu.memory_space<vmem>>
        %dma_start3A_131 = tpu.memref_squeeze %dma_start3A_130 : memref<1x128x32xf32, #tpu.memory_space<vmem>> -> memref<128x32xf32, #tpu.memory_space<vmem>>
        %dma_start3A_132 = arith.constant 0 : i32
        %dma_start3A_133 = tpu.memref_slice %arg7[%add3A_121, %dma_start3A_132] : memref<316x128xi32, #tpu.memory_space<vmem>> -> memref<1x128xi32, #tpu.memory_space<vmem>>
        %dma_start3A_134 = tpu.memref_squeeze %dma_start3A_133 : memref<1x128xi32, #tpu.memory_space<vmem>> -> memref<128xi32, #tpu.memory_space<vmem>>
        %dma_start3A_135 = arith.constant 0 : i32
        %dma_start3A_136 = arith.constant 0 : i32
        %dma_start3A_137 = tpu.memref_slice %arg2[%dma_start3A_135, %dma_start3A_136] : memref<20224x32xf32, #tpu.memory_space<hbm>> -> memref<20224x32xf32, #tpu.memory_space<hbm>>
        tpu.enqueue_indirect_dma source(%dma_start3A_137 : memref<20224x32xf32, #tpu.memory_space<hbm>>) target(%dma_start3A_131 : memref<128x32xf32, #tpu.memory_space<vmem>>) offsets(%dma_start3A_134 : memref<128xi32, #tpu.memory_space<vmem>>) semaphore(%arg11 : memref<!tpu.dma_semaphore, #tpu.memory_space<semaphore_mem>>)
      } else {
      }
    }
    %scan3A_41 = arith.constant 79 : i32
    %barrier3A_42 = arith.constant 0 : index
    tpu.barrier barrier_id(%barrier3A_42)
    "tpu.region"() ({
      %run_scoped3A = tpu.sem_alloc : memref<!tpu.dma_semaphore, #tpu.memory_space<semaphore_mem>>
      %dma_start3A_43 = arith.constant 0 : i32
      %dma_start3A_44 = tpu.memref_slice %arg6[%arg0, %mul3A_0, %dma_start3A_43] : memref<2x10112x32xf32, #tpu.memory_space<hbm>> -> memref<1x632x32xf32, #tpu.memory_space<hbm>>
      %dma_start3A_45 = tpu.memref_squeeze %dma_start3A_44 : memref<1x632x32xf32, #tpu.memory_space<hbm>> -> memref<632x32xf32, #tpu.memory_space<hbm>>
      %dma_start3A_46 = arith.constant 0 : i32
      %dma_start3A_47 = tpu.memref_slice %arg10[%mul3A_0, %dma_start3A_46] : memref<10112x32xf32, #tpu.memory_space<vmem_shared>> -> memref<632x32xf32, #tpu.memory_space<vmem_shared>>
      tpu.enqueue_dma source(%dma_start3A_47 : memref<632x32xf32, #tpu.memory_space<vmem_shared>>) target(%dma_start3A_45 : memref<632x32xf32, #tpu.memory_space<hbm>>) target_semaphore(%run_scoped3A : memref<!tpu.dma_semaphore, #tpu.memory_space<semaphore_mem>>)
      %dma_wait3A = arith.constant 0 : i32
      %dma_wait3A_48 = tpu.memref_slice %arg6[%arg0, %mul3A_0, %dma_wait3A] : memref<2x10112x32xf32, #tpu.memory_space<hbm>> -> memref<1x632x32xf32, #tpu.memory_space<hbm>>
      %dma_wait3A_49 = tpu.memref_squeeze %dma_wait3A_48 : memref<1x632x32xf32, #tpu.memory_space<hbm>> -> memref<632x32xf32, #tpu.memory_space<hbm>>
      %dma_wait3A_50 = arith.constant 0 : i32
      %dma_wait3A_51 = tpu.memref_slice %arg10[%mul3A_0, %dma_wait3A_50] : memref<10112x32xf32, #tpu.memory_space<vmem_shared>> -> memref<632x32xf32, #tpu.memory_space<vmem_shared>>
      tpu.wait_dma2 semaphore(%run_scoped3A : memref<!tpu.dma_semaphore, #tpu.memory_space<semaphore_mem>>) src(%dma_wait3A_51 : memref<632x32xf32, #tpu.memory_space<vmem_shared>>) dst(%dma_wait3A_49 : memref<632x32xf32, #tpu.memory_space<hbm>>)
      tpu.yield
    }) : () -> ()
    return
  }
}

#map = affine_map<(d0, d1) -> (0, 0, 0)>
#map1 = affine_map<(d0, d1) -> (0, 0)>
module attributes {stable_mosaic.version = 14 : i64} {
  func.func @k(%arg0: i32, %arg1: i32, %arg2: memref<32x160x128xi32, #tpu.memory_space<hbm>>, %arg3: memref<128x16xf32, #tpu.memory_space<hbm>>, %arg4: memref<632x16xf32, #tpu.memory_space<hbm>>, %arg5: memref<2x10112x16xf32, #tpu.memory_space<hbm>>, %arg6: memref<160x128xi32, #tpu.memory_space<vmem>>, %arg7: memref<128x16xf32, #tpu.memory_space<vmem>>, %arg8: memref<10112x16xf32, #tpu.memory_space<vmem_shared>>) attributes {dimension_semantics = [#tpu.dimension_semantics<core_parallel>, #tpu.dimension_semantics<subcore_parallel>], iteration_bounds = array<i64: 2, 16>, scalar_prefetch = 0 : i64, scratch_operands = 3 : i64, tpu.core_type = #tpu.core_type<sc_vector_subcore>, window_params = [{transform_indices = #map}, {transform_indices = #map1}, {transform_indices = #map1}, {transform_indices = #map}]} {
    %mul3A = arith.constant 16 : i32
    %mul3A_0 = arith.muli %arg0, %mul3A : i32
    %add3A = arith.addi %mul3A_0, %arg1 : i32
    %mul3A_1 = arith.constant 632 : i32
    %mul3A_2 = arith.muli %arg1, %mul3A_1 : i32
    "tpu.region"() ({
      %run_scoped3A = tpu.sem_alloc : memref<!tpu.dma_semaphore, #tpu.memory_space<semaphore_mem>>
      %dma_start3A = arith.constant 0 : i32
      %dma_start3A_8 = tpu.memref_slice %arg8[%mul3A_2, %dma_start3A] : memref<10112x16xf32, #tpu.memory_space<vmem_shared>> -> memref<632x16xf32, #tpu.memory_space<vmem_shared>>
      tpu.enqueue_dma source(%arg4 : memref<632x16xf32, #tpu.memory_space<hbm>>) target(%dma_start3A_8 : memref<632x16xf32, #tpu.memory_space<vmem_shared>>) target_semaphore(%run_scoped3A : memref<!tpu.dma_semaphore, #tpu.memory_space<semaphore_mem>>)
      %dma_wait3A = arith.constant 0 : i32
      %dma_wait3A_9 = tpu.memref_slice %arg8[%mul3A_2, %dma_wait3A] : memref<10112x16xf32, #tpu.memory_space<vmem_shared>> -> memref<632x16xf32, #tpu.memory_space<vmem_shared>>
      tpu.wait_dma2 semaphore(%run_scoped3A : memref<!tpu.dma_semaphore, #tpu.memory_space<semaphore_mem>>) src(%arg4 : memref<632x16xf32, #tpu.memory_space<hbm>>) dst(%dma_wait3A_9 : memref<632x16xf32, #tpu.memory_space<vmem_shared>>)
      tpu.yield
    }) : () -> ()
    "tpu.region"() ({
      %run_scoped3A = tpu.sem_alloc : memref<!tpu.dma_semaphore, #tpu.memory_space<semaphore_mem>>
      %dma_start3A = arith.constant 0 : i32
      %dma_start3A_8 = arith.constant 0 : i32
      %dma_start3A_9 = tpu.memref_slice %arg2[%add3A, %dma_start3A, %dma_start3A_8] : memref<32x160x128xi32, #tpu.memory_space<hbm>> -> memref<1x160x128xi32, #tpu.memory_space<hbm>>
      %dma_start3A_10 = tpu.memref_squeeze %dma_start3A_9 : memref<1x160x128xi32, #tpu.memory_space<hbm>> -> memref<160x128xi32, #tpu.memory_space<hbm>>
      %dma_start3A_11 = arith.constant 0 : i32
      %dma_start3A_12 = arith.constant 0 : i32
      %dma_start3A_13 = tpu.memref_slice %arg2[%add3A, %dma_start3A_11, %dma_start3A_12] : memref<32x160x128xi32, #tpu.memory_space<hbm>> -> memref<1x160x128xi32, #tpu.memory_space<hbm>>
      %dma_start3A_14 = tpu.memref_squeeze %dma_start3A_13 : memref<1x160x128xi32, #tpu.memory_space<hbm>> -> memref<160x128xi32, #tpu.memory_space<hbm>>
      tpu.enqueue_dma source(%dma_start3A_14 : memref<160x128xi32, #tpu.memory_space<hbm>>) target(%arg6 : memref<160x128xi32, #tpu.memory_space<vmem>>) target_semaphore(%run_scoped3A : memref<!tpu.dma_semaphore, #tpu.memory_space<semaphore_mem>>)
      %dma_wait3A = arith.constant 0 : i32
      %dma_wait3A_15 = arith.constant 0 : i32
      %dma_wait3A_16 = tpu.memref_slice %arg2[%add3A, %dma_wait3A, %dma_wait3A_15] : memref<32x160x128xi32, #tpu.memory_space<hbm>> -> memref<1x160x128xi32, #tpu.memory_space<hbm>>
      %dma_wait3A_17 = tpu.memref_squeeze %dma_wait3A_16 : memref<1x160x128xi32, #tpu.memory_space<hbm>> -> memref<160x128xi32, #tpu.memory_space<hbm>>
      %dma_wait3A_18 = arith.constant 0 : i32
      %dma_wait3A_19 = arith.constant 0 : i32
      %dma_wait3A_20 = tpu.memref_slice %arg2[%add3A, %dma_wait3A_18, %dma_wait3A_19] : memref<32x160x128xi32, #tpu.memory_space<hbm>> -> memref<1x160x128xi32, #tpu.memory_space<hbm>>
      %dma_wait3A_21 = tpu.memref_squeeze %dma_wait3A_20 : memref<1x160x128xi32, #tpu.memory_space<hbm>> -> memref<160x128xi32, #tpu.memory_space<hbm>>
      tpu.wait_dma2 semaphore(%run_scoped3A : memref<!tpu.dma_semaphore, #tpu.memory_space<semaphore_mem>>) src(%dma_wait3A_21 : memref<160x128xi32, #tpu.memory_space<hbm>>) dst(%arg6 : memref<160x128xi32, #tpu.memory_space<vmem>>)
      tpu.yield
    }) : () -> ()
    "tpu.region"() ({
      %run_scoped3A = tpu.sem_alloc : memref<!tpu.dma_semaphore, #tpu.memory_space<semaphore_mem>>
      tpu.enqueue_dma source(%arg3 : memref<128x16xf32, #tpu.memory_space<hbm>>) target(%arg7 : memref<128x16xf32, #tpu.memory_space<vmem>>) target_semaphore(%run_scoped3A : memref<!tpu.dma_semaphore, #tpu.memory_space<semaphore_mem>>)
      tpu.wait_dma2 semaphore(%run_scoped3A : memref<!tpu.dma_semaphore, #tpu.memory_space<semaphore_mem>>) src(%arg3 : memref<128x16xf32, #tpu.memory_space<hbm>>) dst(%arg7 : memref<128x16xf32, #tpu.memory_space<vmem>>)
      tpu.yield
    }) : () -> ()
    %barrier3A = arith.constant 0 : index
    tpu.barrier barrier_id(%barrier3A)
    %scan3A = arith.constant 0 : i32
    %scan3A_3 = arith.constant 160 : i32
    %scan3A_4 = arith.addi %scan3A, %scan3A_3 : i32
    %scan3A_5 = arith.constant 1 : i32
    scf.for %scan3A_8 = %scan3A to %scan3A_4 step %scan3A_5  : i32 {
      %mul3A_9 = arith.constant 1 : i32
      %mul3A_10 = arith.muli %scan3A_8, %mul3A_9 : i32
      %add3A_11 = arith.constant 0 : i32
      %add3A_12 = arith.addi %add3A_11, %mul3A_10 : i32
      "tpu.region"() ({
        %run_scoped3A = tpu.sem_alloc : memref<!tpu.dma_semaphore, #tpu.memory_space<semaphore_mem>>
        %dma_start3A = arith.constant 0 : i32
        %dma_start3A_13 = tpu.memref_slice %arg6[%add3A_12, %dma_start3A] : memref<160x128xi32, #tpu.memory_space<vmem>> -> memref<1x128xi32, #tpu.memory_space<vmem>>
        %dma_start3A_14 = tpu.memref_squeeze %dma_start3A_13 : memref<1x128xi32, #tpu.memory_space<vmem>> -> memref<128xi32, #tpu.memory_space<vmem>>
        %dma_start3A_15 = arith.constant 0 : i32
        %dma_start3A_16 = arith.constant 0 : i32
        %dma_start3A_17 = tpu.memref_slice %arg8[%dma_start3A_15, %dma_start3A_16] : memref<10112x16xf32, #tpu.memory_space<vmem_shared>> -> memref<10112x16xf32, #tpu.memory_space<vmem_shared>>
        tpu.enqueue_indirect_dma source(%arg7 : memref<128x16xf32, #tpu.memory_space<vmem>>) target(%dma_start3A_17 : memref<10112x16xf32, #tpu.memory_space<vmem_shared>>) offsets(%dma_start3A_14 : memref<128xi32, #tpu.memory_space<vmem>>) semaphore(%run_scoped3A : memref<!tpu.dma_semaphore, #tpu.memory_space<semaphore_mem>>) {add = true}
        %dma_wait3A = arith.constant 0 : i32
        %dma_wait3A_18 = tpu.memref_slice %arg6[%add3A_12, %dma_wait3A] : memref<160x128xi32, #tpu.memory_space<vmem>> -> memref<1x128xi32, #tpu.memory_space<vmem>>
        %dma_wait3A_19 = tpu.memref_squeeze %dma_wait3A_18 : memref<1x128xi32, #tpu.memory_space<vmem>> -> memref<128xi32, #tpu.memory_space<vmem>>
        %dma_wait3A_20 = arith.constant 0 : i32
        %dma_wait3A_21 = arith.constant 0 : i32
        %dma_wait3A_22 = tpu.memref_slice %arg8[%dma_wait3A_20, %dma_wait3A_21] : memref<10112x16xf32, #tpu.memory_space<vmem_shared>> -> memref<10112x16xf32, #tpu.memory_space<vmem_shared>>
        tpu.wait_indirect_dma semaphore(%run_scoped3A : memref<!tpu.dma_semaphore, #tpu.memory_space<semaphore_mem>>) src(%arg7 : memref<128x16xf32, #tpu.memory_space<vmem>>) dst(%dma_wait3A_22 : memref<10112x16xf32, #tpu.memory_space<vmem_shared>>)
        tpu.yield
      }) : () -> ()
    }
    %scan3A_6 = arith.constant 160 : i32
    %barrier3A_7 = arith.constant 0 : index
    tpu.barrier barrier_id(%barrier3A_7)
    "tpu.region"() ({
      %run_scoped3A = tpu.sem_alloc : memref<!tpu.dma_semaphore, #tpu.memory_space<semaphore_mem>>
      %dma_start3A = arith.constant 0 : i32
      %dma_start3A_8 = tpu.memref_slice %arg5[%arg0, %mul3A_2, %dma_start3A] : memref<2x10112x16xf32, #tpu.memory_space<hbm>> -> memref<1x632x16xf32, #tpu.memory_space<hbm>>
      %dma_start3A_9 = tpu.memref_squeeze %dma_start3A_8 : memref<1x632x16xf32, #tpu.memory_space<hbm>> -> memref<632x16xf32, #tpu.memory_space<hbm>>
      %dma_start3A_10 = arith.constant 0 : i32
      %dma_start3A_11 = tpu.memref_slice %arg8[%mul3A_2, %dma_start3A_10] : memref<10112x16xf32, #tpu.memory_space<vmem_shared>> -> memref<632x16xf32, #tpu.memory_space<vmem_shared>>
      tpu.enqueue_dma source(%dma_start3A_11 : memref<632x16xf32, #tpu.memory_space<vmem_shared>>) target(%dma_start3A_9 : memref<632x16xf32, #tpu.memory_space<hbm>>) target_semaphore(%run_scoped3A : memref<!tpu.dma_semaphore, #tpu.memory_space<semaphore_mem>>)
      %dma_wait3A = arith.constant 0 : i32
      %dma_wait3A_12 = tpu.memref_slice %arg5[%arg0, %mul3A_2, %dma_wait3A] : memref<2x10112x16xf32, #tpu.memory_space<hbm>> -> memref<1x632x16xf32, #tpu.memory_space<hbm>>
      %dma_wait3A_13 = tpu.memref_squeeze %dma_wait3A_12 : memref<1x632x16xf32, #tpu.memory_space<hbm>> -> memref<632x16xf32, #tpu.memory_space<hbm>>
      %dma_wait3A_14 = arith.constant 0 : i32
      %dma_wait3A_15 = tpu.memref_slice %arg8[%mul3A_2, %dma_wait3A_14] : memref<10112x16xf32, #tpu.memory_space<vmem_shared>> -> memref<632x16xf32, #tpu.memory_space<vmem_shared>>
      tpu.wait_dma2 semaphore(%run_scoped3A : memref<!tpu.dma_semaphore, #tpu.memory_space<semaphore_mem>>) src(%dma_wait3A_15 : memref<632x16xf32, #tpu.memory_space<vmem_shared>>) dst(%dma_wait3A_13 : memref<632x16xf32, #tpu.memory_space<hbm>>)
      tpu.yield
    }) : () -> ()
    return
  }
}

module attributes {stable_mosaic.version = 14 : i64} {
  func.func @body(%arg0: i32, %arg1: memref<2528x128xf32, #tpu.memory_space<vmem>>, %arg2: memref<128x128xf32, #tpu.memory_space<vmem>>, %arg3: memref<1x128xf32, #tpu.memory_space<vmem>>, %arg4: memref<128x64xf32, #tpu.memory_space<vmem>>, %arg5: memref<2528x64xf32, #tpu.memory_space<vmem>>) attributes {dimension_semantics = [#tpu.dimension_semantics<arbitrary>], iteration_bounds = array<i64: 4>, scalar_prefetch = 0 : i64, scratch_operands = 0 : i64, tpu.core_type = #tpu.core_type<tc>, window_params = [{transform_indices = @transform_0, window_bounds = array<i64: 2528, 128>}, {pipeline_mode = #tpu.pipeline_mode<synchronous>, transform_indices = @transform_1, window_bounds = array<i64: 128, 128>}, {pipeline_mode = #tpu.pipeline_mode<synchronous>, transform_indices = @transform_2, window_bounds = array<i64: 1, 128>}, {pipeline_mode = #tpu.pipeline_mode<synchronous>, transform_indices = @transform_3, window_bounds = array<i64: 128, 64>}, {transform_indices = @transform_4, window_bounds = array<i64: 2528, 64>}]} {
    %get3A = arith.constant 0 : index
    %get3A_0 = arith.constant 0 : index
    %get3A_1 = vector.load %arg1[%get3A, %get3A_0] : memref<2528x128xf32, #tpu.memory_space<vmem>>, vector<2528x128xf32>
    %get3A_2 = arith.constant 0 : index
    %get3A_3 = arith.constant 0 : index
    %get3A_4 = vector.load %arg2[%get3A_2, %get3A_3] : memref<128x128xf32, #tpu.memory_space<vmem>>, vector<128x128xf32>
    %dot_general3A = arith.constant dense<0.000000e+00> : vector<2528x128xf32>
    %dot_general3A_5 = tpu.matmul %get3A_1, %get3A_4, %dot_general3A {dimension_numbers = #tpu.dot_dimension_numbers<[1], [0], [0], [1], [0, 0, 1, 1], [], []>, transpose_lhs_hint = false} : vector<2528x128xf32>, vector<128x128xf32>, vector<2528x128xf32> -> vector<2528x128xf32>
    %get3A_6 = arith.constant 0 : index
    %get3A_7 = arith.constant 0 : index
    %get3A_8 = vector.load %arg3[%get3A_6, %get3A_7] : memref<1x128xf32, #tpu.memory_space<vmem>>, vector<1x128xf32>
    %add3A = vector.broadcast %get3A_8 : vector<1x128xf32> to vector<2528x128xf32>
    %add3A_9 = arith.addf %dot_general3A_5, %add3A : vector<2528x128xf32>
    %max3A = arith.constant 0.000000e+00 : f32
    %max3A_10 = vector.broadcast %max3A : f32 to vector<2528x128xf32>
    %max3A_11 = arith.maximumf %add3A_9, %max3A_10 : vector<2528x128xf32>
    %get3A_12 = arith.constant 0 : index
    %get3A_13 = arith.constant 0 : index
    %get3A_14 = vector.load %arg4[%get3A_12, %get3A_13] : memref<128x64xf32, #tpu.memory_space<vmem>>, vector<128x64xf32>
    %dot_general3A_15 = arith.constant dense<0.000000e+00> : vector<2528x64xf32>
    %dot_general3A_16 = tpu.matmul %max3A_11, %get3A_14, %dot_general3A_15 {dimension_numbers = #tpu.dot_dimension_numbers<[1], [0], [0], [1], [0, 0, 1, 1], [], []>, transpose_lhs_hint = false} : vector<2528x128xf32>, vector<128x64xf32>, vector<2528x64xf32> -> vector<2528x64xf32>
    %swap3A = arith.constant 0 : index
    %swap3A_17 = arith.constant 0 : index
    %swap3A_18 = vector.load %arg5[%swap3A, %swap3A_17] : memref<2528x64xf32, #tpu.memory_space<vmem>>, vector<2528x64xf32>
    tpu.vector_store %arg5[%swap3A, %swap3A_17], %dot_general3A_16 {strides = array<i32>} : memref<2528x64xf32, #tpu.memory_space<vmem>>, vector<2528x64xf32>,
    return
  }
  func.func @transform_0(%arg0: i32) -> (i32, i32) {
    %c0_i32 = arith.constant 0 : i32
    %c0_i32_0 = arith.constant 0 : i32
    return %arg0, %c0_i32 : i32, i32
  }
  func.func @transform_1(%arg0: i32) -> (i32, i32) {
    %c0_i32 = arith.constant 0 : i32
    %c0_i32_0 = arith.constant 0 : i32
    %c0_i32_1 = arith.constant 0 : i32
    return %c0_i32, %c0_i32_0 : i32, i32
  }
  func.func @transform_2(%arg0: i32) -> (i32, i32) {
    %c0_i32 = arith.constant 0 : i32
    %c0_i32_0 = arith.constant 0 : i32
    %c0_i32_1 = arith.constant 0 : i32
    return %c0_i32, %c0_i32_0 : i32, i32
  }
  func.func @transform_3(%arg0: i32) -> (i32, i32) {
    %c0_i32 = arith.constant 0 : i32
    %c0_i32_0 = arith.constant 0 : i32
    %c0_i32_1 = arith.constant 0 : i32
    return %c0_i32, %c0_i32_0 : i32, i32
  }
  func.func @transform_4(%arg0: i32) -> (i32, i32) {
    %c0_i32 = arith.constant 0 : i32
    %c0_i32_0 = arith.constant 0 : i32
    return %arg0, %c0_i32 : i32, i32
  }
}

module attributes {stable_mosaic.version = 14 : i64} {
  func.func @body(%arg0: i32, %arg1: memref<2x2528x16xf32, #tpu.memory_space<vmem>>, %arg2: memref<2528x64xf32, #tpu.memory_space<vmem>>, %arg3: memref<2528x16xf32, #tpu.memory_space<vmem>>, %arg4: memref<2x2528x32xf32, #tpu.memory_space<vmem>>) attributes {dimension_semantics = [#tpu.dimension_semantics<arbitrary>], iteration_bounds = array<i64: 4>, scalar_prefetch = 0 : i64, scratch_operands = 0 : i64, tpu.core_type = #tpu.core_type<tc>, window_params = [{transform_indices = @transform_0, window_bounds = array<i64: 2, 2528, 16>}, {transform_indices = @transform_1, window_bounds = array<i64: 2528, 64>}, {transform_indices = @transform_2, window_bounds = array<i64: 2528, 16>}, {transform_indices = @transform_3, window_bounds = array<i64: 2, 2528, 32>}]} {
    %get3A = arith.constant 0 : index
    %get3A_0 = arith.constant 0 : index
    %get3A_1 = arith.constant 0 : index
    %get3A_2 = vector.load %arg1[%get3A, %get3A_0, %get3A_1] : memref<2x2528x16xf32, #tpu.memory_space<vmem>>, vector<2x2528x16xf32>
    %slice3A = vector.extract_strided_slice %get3A_2 {offsets = [0, 0, 0], sizes = [1, 2528, 16], strides = [1, 1, 1]} : vector<2x2528x16xf32> to vector<1x2528x16xf32>
    %squeeze3A = vector.shape_cast %slice3A : vector<1x2528x16xf32> to vector<2528x16xf32>
    %slice3A_3 = vector.extract_strided_slice %get3A_2 {offsets = [1, 0, 0], sizes = [1, 2528, 16], strides = [1, 1, 1]} : vector<2x2528x16xf32> to vector<1x2528x16xf32>
    %squeeze3A_4 = vector.shape_cast %slice3A_3 : vector<1x2528x16xf32> to vector<2528x16xf32>
    %add3A = arith.addf %squeeze3A, %squeeze3A_4 : vector<2528x16xf32>
    %add3A_5 = arith.constant 1.000000e+00 : f32
    %add3A_6 = vector.broadcast %add3A_5 : f32 to vector<2528x16xf32>
    %add3A_7 = arith.addf %add3A, %add3A_6 : vector<2528x16xf32>
    %rsqrt3A = math.rsqrt %add3A_7 : vector<2528x16xf32>
    %swap3A = arith.constant 0 : index
    %swap3A_8 = arith.constant 0 : index
    %swap3A_9 = vector.load %arg3[%swap3A, %swap3A_8] : memref<2528x16xf32, #tpu.memory_space<vmem>>, vector<2528x16xf32>
    tpu.vector_store %arg3[%swap3A, %swap3A_8], %rsqrt3A {strides = array<i32>} : memref<2528x16xf32, #tpu.memory_space<vmem>>, vector<2528x16xf32>,
    %get3A_10 = arith.constant 0 : index
    %get3A_11 = arith.constant 0 : index
    %get3A_12 = vector.load %arg2[%get3A_10, %get3A_11] : memref<2528x64xf32, #tpu.memory_space<vmem>>, vector<2528x64xf32>
    %slice3A_13 = vector.extract_strided_slice %rsqrt3A {offsets = [0, 0], sizes = [2528, 1], strides = [1, 1]} : vector<2528x16xf32> to vector<2528x1xf32>
    %mul3A = vector.broadcast %slice3A_13 : vector<2528x1xf32> to vector<2528x64xf32>
    %mul3A_14 = arith.mulf %get3A_12, %mul3A : vector<2528x64xf32>
    %slice3A_15 = vector.extract_strided_slice %mul3A_14 {offsets = [0, 0], sizes = [2528, 32], strides = [1, 1]} : vector<2528x64xf32> to vector<2528x32xf32>
    %broadcast_in_dim3A = vector.shape_cast %slice3A_15 : vector<2528x32xf32> to vector<1x2528x32xf32>
    %slice3A_16 = vector.extract_strided_slice %mul3A_14 {offsets = [0, 32], sizes = [2528, 32], strides = [1, 1]} : vector<2528x64xf32> to vector<2528x32xf32>
    %broadcast_in_dim3A_17 = vector.shape_cast %slice3A_16 : vector<2528x32xf32> to vector<1x2528x32xf32>
    %concatenate3A = tpu.concatenate %broadcast_in_dim3A, %broadcast_in_dim3A_17 in 0 : vector<1x2528x32xf32>, vector<1x2528x32xf32> -> vector<2x2528x32xf32>
    %swap3A_18 = arith.constant 0 : index
    %swap3A_19 = arith.constant 0 : index
    %swap3A_20 = arith.constant 0 : index
    %swap3A_21 = vector.load %arg4[%swap3A_18, %swap3A_19, %swap3A_20] : memref<2x2528x32xf32, #tpu.memory_space<vmem>>, vector<2x2528x32xf32>
    tpu.vector_store %arg4[%swap3A_18, %swap3A_19, %swap3A_20], %concatenate3A {strides = array<i32>} : memref<2x2528x32xf32, #tpu.memory_space<vmem>>, vector<2x2528x32xf32>,
    return
  }
  func.func @transform_0(%arg0: i32) -> (i32, i32, i32) {
    %c0_i32 = arith.constant 0 : i32
    %c0_i32_0 = arith.constant 0 : i32
    %c0_i32_1 = arith.constant 0 : i32
    return %c0_i32, %arg0, %c0_i32_0 : i32, i32, i32
  }
  func.func @transform_1(%arg0: i32) -> (i32, i32) {
    %c0_i32 = arith.constant 0 : i32
    %c0_i32_0 = arith.constant 0 : i32
    return %arg0, %c0_i32 : i32, i32
  }
  func.func @transform_2(%arg0: i32) -> (i32, i32) {
    %c0_i32 = arith.constant 0 : i32
    %c0_i32_0 = arith.constant 0 : i32
    return %arg0, %c0_i32 : i32, i32
  }
  func.func @transform_3(%arg0: i32) -> (i32, i32, i32) {
    %c0_i32 = arith.constant 0 : i32
    %c0_i32_0 = arith.constant 0 : i32
    %c0_i32_1 = arith.constant 0 : i32
    return %c0_i32, %arg0, %c0_i32_0 : i32, i32, i32
  }
}

module attributes {stable_mosaic.version = 14 : i64} {
  func.func @body(%arg0: i32, %arg1: memref<2x2528x32xf32, #tpu.memory_space<vmem>>, %arg2: memref<2528x64xf32, #tpu.memory_space<vmem>>, %arg3: memref<2528x16xf32, #tpu.memory_space<vmem>>, %arg4: memref<1x64xf32, #tpu.memory_space<vmem>>, %arg5: memref<64x64xf32, #tpu.memory_space<vmem>>, %arg6: memref<2528x64xf32, #tpu.memory_space<vmem>>, %arg7: memref<2x2528x32xf32, #tpu.memory_space<vmem>>) attributes {dimension_semantics = [#tpu.dimension_semantics<arbitrary>], iteration_bounds = array<i64: 4>, scalar_prefetch = 0 : i64, scratch_operands = 0 : i64, tpu.core_type = #tpu.core_type<tc>, window_params = [{transform_indices = @transform_0, window_bounds = array<i64: 2, 2528, 32>}, {transform_indices = @transform_1, window_bounds = array<i64: 2528, 64>}, {transform_indices = @transform_2, window_bounds = array<i64: 2528, 16>}, {pipeline_mode = #tpu.pipeline_mode<synchronous>, transform_indices = @transform_3, window_bounds = array<i64: 1, 64>}, {pipeline_mode = #tpu.pipeline_mode<synchronous>, transform_indices = @transform_4, window_bounds = array<i64: 64, 64>}, {transform_indices = @transform_5, window_bounds = array<i64: 2528, 64>}, {transform_indices = @transform_6, window_bounds = array<i64: 2, 2528, 32>}]} {
    %get3A = arith.constant 0 : index
    %get3A_0 = arith.constant 0 : index
    %get3A_1 = arith.constant 0 : index
    %get3A_2 = vector.load %arg1[%get3A, %get3A_0, %get3A_1] : memref<2x2528x32xf32, #tpu.memory_space<vmem>>, vector<2x2528x32xf32>
    %slice3A = vector.extract_strided_slice %get3A_2 {offsets = [0, 0, 0], sizes = [1, 2528, 32], strides = [1, 1, 1]} : vector<2x2528x32xf32> to vector<1x2528x32xf32>
    %squeeze3A = vector.shape_cast %slice3A : vector<1x2528x32xf32> to vector<2528x32xf32>
    %slice3A_3 = vector.extract_strided_slice %get3A_2 {offsets = [1, 0, 0], sizes = [1, 2528, 32], strides = [1, 1, 1]} : vector<2x2528x32xf32> to vector<1x2528x32xf32>
    %squeeze3A_4 = vector.shape_cast %slice3A_3 : vector<1x2528x32xf32> to vector<2528x32xf32>
    %concatenate3A = tpu.concatenate %squeeze3A, %squeeze3A_4 in 1 : vector<2528x32xf32>, vector<2528x32xf32> -> vector<2528x64xf32>
    %get3A_5 = arith.constant 0 : index
    %get3A_6 = arith.constant 0 : index
    %get3A_7 = vector.load %arg3[%get3A_5, %get3A_6] : memref<2528x16xf32, #tpu.memory_space<vmem>>, vector<2528x16xf32>
    %slice3A_8 = vector.extract_strided_slice %get3A_7 {offsets = [0, 0], sizes = [2528, 1], strides = [1, 1]} : vector<2528x16xf32> to vector<2528x1xf32>
    %mul3A = vector.broadcast %slice3A_8 : vector<2528x1xf32> to vector<2528x64xf32>
    %mul3A_9 = arith.mulf %mul3A, %concatenate3A : vector<2528x64xf32>
    %mul3A_10 = arith.mulf %slice3A_8, %slice3A_8 : vector<2528x1xf32>
    %get3A_11 = arith.constant 0 : index
    %get3A_12 = arith.constant 0 : index
    %get3A_13 = vector.load %arg2[%get3A_11, %get3A_12] : memref<2528x64xf32, #tpu.memory_space<vmem>>, vector<2528x64xf32>
    %mul3A_14 = vector.broadcast %mul3A_10 : vector<2528x1xf32> to vector<2528x64xf32>
    %mul3A_15 = arith.mulf %mul3A_14, %get3A_13 : vector<2528x64xf32>
    %add3A = arith.addf %mul3A_9, %mul3A_15 : vector<2528x64xf32>
    %get3A_16 = arith.constant 0 : index
    %get3A_17 = arith.constant 0 : index
    %get3A_18 = vector.load %arg4[%get3A_16, %get3A_17] : memref<1x64xf32, #tpu.memory_space<vmem>>, vector<1x64xf32>
    %add3A_19 = vector.broadcast %get3A_18 : vector<1x64xf32> to vector<2528x64xf32>
    %add3A_20 = arith.addf %add3A, %add3A_19 : vector<2528x64xf32>
    %max3A = arith.constant 0.000000e+00 : f32
    %max3A_21 = vector.broadcast %max3A : f32 to vector<2528x64xf32>
    %max3A_22 = arith.maximumf %add3A_20, %max3A_21 : vector<2528x64xf32>
    %get3A_23 = arith.constant 0 : index
    %get3A_24 = arith.constant 0 : index
    %get3A_25 = vector.load %arg5[%get3A_23, %get3A_24] : memref<64x64xf32, #tpu.memory_space<vmem>>, vector<64x64xf32>
    %dot_general3A = arith.constant dense<0.000000e+00> : vector<2528x64xf32>
    %dot_general3A_26 = tpu.matmul %max3A_22, %get3A_25, %dot_general3A {dimension_numbers = #tpu.dot_dimension_numbers<[1], [0], [0], [1], [0, 0, 1, 1], [], []>, transpose_lhs_hint = false} : vector<2528x64xf32>, vector<64x64xf32>, vector<2528x64xf32> -> vector<2528x64xf32>
    %swap3A = arith.constant 0 : index
    %swap3A_27 = arith.constant 0 : index
    %swap3A_28 = vector.load %arg6[%swap3A, %swap3A_27] : memref<2528x64xf32, #tpu.memory_space<vmem>>, vector<2528x64xf32>
    tpu.vector_store %arg6[%swap3A, %swap3A_27], %dot_general3A_26 {strides = array<i32>} : memref<2528x64xf32, #tpu.memory_space<vmem>>, vector<2528x64xf32>,
    %mul3A_29 = vector.broadcast %slice3A_8 : vector<2528x1xf32> to vector<2528x64xf32>
    %mul3A_30 = arith.mulf %dot_general3A_26, %mul3A_29 : vector<2528x64xf32>
    %slice3A_31 = vector.extract_strided_slice %mul3A_30 {offsets = [0, 0], sizes = [2528, 32], strides = [1, 1]} : vector<2528x64xf32> to vector<2528x32xf32>
    %broadcast_in_dim3A = vector.shape_cast %slice3A_31 : vector<2528x32xf32> to vector<1x2528x32xf32>
    %slice3A_32 = vector.extract_strided_slice %mul3A_30 {offsets = [0, 32], sizes = [2528, 32], strides = [1, 1]} : vector<2528x64xf32> to vector<2528x32xf32>
    %broadcast_in_dim3A_33 = vector.shape_cast %slice3A_32 : vector<2528x32xf32> to vector<1x2528x32xf32>
    %concatenate3A_34 = tpu.concatenate %broadcast_in_dim3A, %broadcast_in_dim3A_33 in 0 : vector<1x2528x32xf32>, vector<1x2528x32xf32> -> vector<2x2528x32xf32>
    %swap3A_35 = arith.constant 0 : index
    %swap3A_36 = arith.constant 0 : index
    %swap3A_37 = arith.constant 0 : index
    %swap3A_38 = vector.load %arg7[%swap3A_35, %swap3A_36, %swap3A_37] : memref<2x2528x32xf32, #tpu.memory_space<vmem>>, vector<2x2528x32xf32>
    tpu.vector_store %arg7[%swap3A_35, %swap3A_36, %swap3A_37], %concatenate3A_34 {strides = array<i32>} : memref<2x2528x32xf32, #tpu.memory_space<vmem>>, vector<2x2528x32xf32>,
    return
  }
  func.func @transform_0(%arg0: i32) -> (i32, i32, i32) {
    %c0_i32 = arith.constant 0 : i32
    %c0_i32_0 = arith.constant 0 : i32
    %c0_i32_1 = arith.constant 0 : i32
    return %c0_i32, %arg0, %c0_i32_0 : i32, i32, i32
  }
  func.func @transform_1(%arg0: i32) -> (i32, i32) {
    %c0_i32 = arith.constant 0 : i32
    %c0_i32_0 = arith.constant 0 : i32
    return %arg0, %c0_i32 : i32, i32
  }
  func.func @transform_2(%arg0: i32) -> (i32, i32) {
    %c0_i32 = arith.constant 0 : i32
    %c0_i32_0 = arith.constant 0 : i32
    return %arg0, %c0_i32 : i32, i32
  }
  func.func @transform_3(%arg0: i32) -> (i32, i32) {
    %c0_i32 = arith.constant 0 : i32
    %c0_i32_0 = arith.constant 0 : i32
    %c0_i32_1 = arith.constant 0 : i32
    return %c0_i32, %c0_i32_0 : i32, i32
  }
  func.func @transform_4(%arg0: i32) -> (i32, i32) {
    %c0_i32 = arith.constant 0 : i32
    %c0_i32_0 = arith.constant 0 : i32
    %c0_i32_1 = arith.constant 0 : i32
    return %c0_i32, %c0_i32_0 : i32, i32
  }
  func.func @transform_5(%arg0: i32) -> (i32, i32) {
    %c0_i32 = arith.constant 0 : i32
    %c0_i32_0 = arith.constant 0 : i32
    return %arg0, %c0_i32 : i32, i32
  }
  func.func @transform_6(%arg0: i32) -> (i32, i32, i32) {
    %c0_i32 = arith.constant 0 : i32
    %c0_i32_0 = arith.constant 0 : i32
    %c0_i32_1 = arith.constant 0 : i32
    return %c0_i32, %arg0, %c0_i32_0 : i32, i32, i32
  }
}

module attributes {stable_mosaic.version = 14 : i64} {
  func.func @body(%arg0: memref<2x10112x32xf32, #tpu.memory_space<vmem>>, %arg1: memref<10112x64xf32, #tpu.memory_space<vmem>>, %arg2: memref<10112x16xf32, #tpu.memory_space<vmem>>, %arg3: memref<1x64xf32, #tpu.memory_space<vmem>>, %arg4: memref<1x10112xi32, #tpu.memory_space<vmem>>, %arg5: memref<64x32xf32, #tpu.memory_space<vmem>>, %arg6: memref<1x32xf32, #tpu.memory_space<vmem>>, %arg7: memref<32x1xf32, #tpu.memory_space<vmem>>, %arg8: memref<1x1xf32, #tpu.memory_space<vmem>>, %arg9: memref<64x1xf32, #tpu.memory_space<vmem>>) attributes {dimension_semantics = [], scalar_prefetch = 0 : i64, scratch_operands = 0 : i64, tpu.core_type = #tpu.core_type<tc>} {
    %get3A = arith.constant 0 : index
    %get3A_0 = arith.constant 0 : index
    %get3A_1 = arith.constant 0 : index
    %get3A_2 = vector.load %arg0[%get3A, %get3A_0, %get3A_1] : memref<2x10112x32xf32, #tpu.memory_space<vmem>>, vector<2x10112x32xf32>
    %slice3A = vector.extract_strided_slice %get3A_2 {offsets = [0, 0, 0], sizes = [1, 10112, 32], strides = [1, 1, 1]} : vector<2x10112x32xf32> to vector<1x10112x32xf32>
    %squeeze3A = vector.shape_cast %slice3A : vector<1x10112x32xf32> to vector<10112x32xf32>
    %slice3A_3 = vector.extract_strided_slice %get3A_2 {offsets = [1, 0, 0], sizes = [1, 10112, 32], strides = [1, 1, 1]} : vector<2x10112x32xf32> to vector<1x10112x32xf32>
    %squeeze3A_4 = vector.shape_cast %slice3A_3 : vector<1x10112x32xf32> to vector<10112x32xf32>
    %concatenate3A = tpu.concatenate %squeeze3A, %squeeze3A_4 in 1 : vector<10112x32xf32>, vector<10112x32xf32> -> vector<10112x64xf32>
    %get3A_5 = arith.constant 0 : index
    %get3A_6 = arith.constant 0 : index
    %get3A_7 = vector.load %arg2[%get3A_5, %get3A_6] : memref<10112x16xf32, #tpu.memory_space<vmem>>, vector<10112x16xf32>
    %slice3A_8 = vector.extract_strided_slice %get3A_7 {offsets = [0, 0], sizes = [10112, 1], strides = [1, 1]} : vector<10112x16xf32> to vector<10112x1xf32>
    %mul3A = vector.broadcast %slice3A_8 : vector<10112x1xf32> to vector<10112x64xf32>
    %mul3A_9 = arith.mulf %mul3A, %concatenate3A : vector<10112x64xf32>
    %mul3A_10 = arith.mulf %slice3A_8, %slice3A_8 : vector<10112x1xf32>
    %get3A_11 = arith.constant 0 : index
    %get3A_12 = arith.constant 0 : index
    %get3A_13 = vector.load %arg1[%get3A_11, %get3A_12] : memref<10112x64xf32, #tpu.memory_space<vmem>>, vector<10112x64xf32>
    %mul3A_14 = vector.broadcast %mul3A_10 : vector<10112x1xf32> to vector<10112x64xf32>
    %mul3A_15 = arith.mulf %mul3A_14, %get3A_13 : vector<10112x64xf32>
    %add3A = arith.addf %mul3A_9, %mul3A_15 : vector<10112x64xf32>
    %get3A_16 = arith.constant 0 : index
    %get3A_17 = arith.constant 0 : index
    %get3A_18 = vector.load %arg3[%get3A_16, %get3A_17] : memref<1x64xf32, #tpu.memory_space<vmem>>, vector<1x64xf32>
    %add3A_19 = vector.broadcast %get3A_18 : vector<1x64xf32> to vector<10112x64xf32>
    %add3A_20 = arith.addf %add3A, %add3A_19 : vector<10112x64xf32>
    %max3A = arith.constant 0.000000e+00 : f32
    %max3A_21 = vector.broadcast %max3A : f32 to vector<10112x64xf32>
    %max3A_22 = arith.maximumf %add3A_20, %max3A_21 : vector<10112x64xf32>
    %iota3A = tpu.iota {dimensions = array<i32: 0>} : vector<64x10112xi32>
    %get3A_23 = arith.constant 0 : index
    %get3A_24 = arith.constant 0 : index
    %get3A_25 = vector.load %arg4[%get3A_23, %get3A_24] : memref<1x10112xi32, #tpu.memory_space<vmem>>, vector<1x10112xi32>
    %eq3A = vector.broadcast %get3A_25 : vector<1x10112xi32> to vector<64x10112xi32>
    %eq3A_26 = arith.cmpi eq, %eq3A, %iota3A : vector<64x10112xi32>
    %convert_element_type3A = arith.extui %eq3A_26 : vector<64x10112xi1> to vector<64x10112xi32>
    %convert_element_type3A_27 = arith.sitofp %convert_element_type3A : vector<64x10112xi32> to vector<64x10112xf32>
    %dot_general3A = arith.constant dense<0.000000e+00> : vector<64x64xf32>
    %dot_general3A_28 = tpu.matmul %convert_element_type3A_27, %max3A_22, %dot_general3A {dimension_numbers = #tpu.dot_dimension_numbers<[1], [0], [0], [1], [0, 0, 1, 1], [], []>, precision = #tpu.contract_precision<fp32>, transpose_lhs_hint = false} : vector<64x10112xf32>, vector<10112x64xf32>, vector<64x64xf32> -> vector<64x64xf32>
    %reduce_sum3A = arith.constant dense<0.000000e+00> : vector<64xf32>
    %reduce_sum3A_29 = vector.multi_reduction <add>, %convert_element_type3A_27, %reduce_sum3A [1] : vector<64x10112xf32> to vector<64xf32>
    %broadcast_in_dim3A = vector.shape_cast %reduce_sum3A_29 : vector<64xf32> to vector<64x1xf32>
    %max3A_30 = arith.constant 1.000000e+00 : f32
    %max3A_31 = vector.broadcast %max3A_30 : f32 to vector<64x1xf32>
    %max3A_32 = arith.maximumf %broadcast_in_dim3A, %max3A_31 : vector<64x1xf32>
    %div3A = vector.broadcast %max3A_32 : vector<64x1xf32> to vector<64x64xf32>
    %div3A_33 = arith.divf %dot_general3A_28, %div3A : vector<64x64xf32>
    %get3A_34 = arith.constant 0 : index
    %get3A_35 = arith.constant 0 : index
    %get3A_36 = vector.load %arg5[%get3A_34, %get3A_35] : memref<64x32xf32, #tpu.memory_space<vmem>>, vector<64x32xf32>
    %dot_general3A_37 = arith.constant dense<0.000000e+00> : vector<64x32xf32>
    %dot_general3A_38 = tpu.matmul %div3A_33, %get3A_36, %dot_general3A_37 {dimension_numbers = #tpu.dot_dimension_numbers<[1], [0], [0], [1], [0, 0, 1, 1], [], []>, transpose_lhs_hint = false} : vector<64x64xf32>, vector<64x32xf32>, vector<64x32xf32> -> vector<64x32xf32>
    %get3A_39 = arith.constant 0 : index
    %get3A_40 = arith.constant 0 : index
    %get3A_41 = vector.load %arg6[%get3A_39, %get3A_40] : memref<1x32xf32, #tpu.memory_space<vmem>>, vector<1x32xf32>
    %add3A_42 = vector.broadcast %get3A_41 : vector<1x32xf32> to vector<64x32xf32>
    %add3A_43 = arith.addf %dot_general3A_38, %add3A_42 : vector<64x32xf32>
    %max3A_44 = arith.constant 0.000000e+00 : f32
    %max3A_45 = vector.broadcast %max3A_44 : f32 to vector<64x32xf32>
    %max3A_46 = arith.maximumf %add3A_43, %max3A_45 : vector<64x32xf32>
    %get3A_47 = arith.constant 0 : index
    %get3A_48 = arith.constant 0 : index
    %get3A_49 = vector.load %arg7[%get3A_47, %get3A_48] : memref<32x1xf32, #tpu.memory_space<vmem>>, vector<32x1xf32>
    %dot_general3A_50 = arith.constant dense<0.000000e+00> : vector<64x1xf32>
    %dot_general3A_51 = tpu.matmul %max3A_46, %get3A_49, %dot_general3A_50 {dimension_numbers = #tpu.dot_dimension_numbers<[1], [0], [0], [1], [0, 0, 1, 1], [], []>, transpose_lhs_hint = false} : vector<64x32xf32>, vector<32x1xf32>, vector<64x1xf32> -> vector<64x1xf32>
    %get3A_52 = arith.constant 0 : index
    %get3A_53 = arith.constant 0 : index
    %get3A_54 = vector.load %arg8[%get3A_52, %get3A_53] : memref<1x1xf32, #tpu.memory_space<vmem>>, vector<1x1xf32>
    %add3A_55 = vector.broadcast %get3A_54 : vector<1x1xf32> to vector<64x1xf32>
    %add3A_56 = arith.addf %dot_general3A_51, %add3A_55 : vector<64x1xf32>
    %swap3A = arith.constant 0 : index
    %swap3A_57 = arith.constant 0 : index
    %swap3A_58 = vector.load %arg9[%swap3A, %swap3A_57] : memref<64x1xf32, #tpu.memory_space<vmem>>, vector<64x1xf32>
    tpu.vector_store %arg9[%swap3A, %swap3A_57], %add3A_56 {strides = array<i32>} : memref<64x1xf32, #tpu.memory_space<vmem>>, vector<64x1xf32>,
    return
  }
}

</mosaic_0001>

<sc_bundles>
// kernel: kernel.12.cloned.1.call-start
scs
__scs_entry_jumppad:
0x0: {  	(pc) =	sbr.rel $0x88, $3  }
0x1: {  	(tag) =	ssettag $0x0;
	lr =	simm.s32 $0x1  }
0x2: {  	[smem:$0x3F94] =	sst lr;
	_ =	strace $0xD0000000  }
0x3: {  	_ = 	snop  }
0x4: {  	_ = 	snop  }
0x5: {  	_ = 	snop  }
0x6: {  	_ = 	snop  }
0x7: {  	_ = 	snop  }
__scs_overlays_trampoline_lowered:
0x8: {  	[smem:$0x3FA3] =	sst s0  }
0x9: {  	[smem:$0x3FA4] =	sst s1  }
0xa: {  	[smem:$0x3FA5] =	sst s2  }
0xb: {  	[smem:$0x3FA6] =	sst s3  }
0xc: {  	[smem:$0x3FA7] =	sst s4  }
0xd: {  	[smem:$0x3FA8] =	sst s5  }
0xe: {  	[smem:$0x3FA9] =	sst s6  }
0xf: {  	[smem:$0x3FAA] =	sst s7  }
0x10: {  	[smem:$0x3FAB] =	sst s8  }
0x11: {  	[smem:$0x3FAC] =	sst s9;
	s0 =	simm.s32 @!p0 $0x0  }
0x12: {  	s1 =	sld [smem:$0x3F92];
	s0 =	simm.s32 @p0 $0x1  }
0x13: {  	[smem:$0x3FAD] =	sst s0;
	s0 =	simm.s32 @!p1 $0x0  }
0x14: {  	s2 =	sld [smem:$0x3F91];
	s0 =	simm.s32 @p1 $0x1  }
0x15: {  	[smem:$0x3FAE] =	sst s0;
	s0 =	simm.s32 @!p2 $0x0  }
0x16: {  	s3 =	sld [smem:$0x3FDB];
	s0 =	simm.s32 @p2 $0x1  }
0x17: {  	s4 =	simm.s32 $0x1BF5;
	[smem:$0x3FB0] =	sst s0  }
0x18: {  	s0 =	sld [smem:$0x3F93];
	_ =	swait.ge [sflag:s4], $0x0  }
0x19: {  	s7 =	sld [smem:$0x3F94]  }
0x1a: {  	s8 =	sadd.s32 $0xFFFFE003, lr  }
0x1b: {  	s9 =	sadd.s32 $0xFFFFFEF7, lr;
	s5 =	simm.s32 $0xFFFFFFFF;
	p2 =	slt.u32 s8, $0xFFFFF086  }
0x1c: {  	p1 =	slt.u32 s9, $0xF7A;
	s5 =	simm.s32 @!p2 $0x0  }
0x1d: {  	s5 =	simm.s32 @p1 $0x1;
	p0 =	seq.s32 s7, s2  }
0x1e: {  	s7 =	smul.u32 @!p0 $0xF7A, s2;
	p2 =	seq.s32 @!p0 s5, $0x0  }
0x1f: {  	s9 =	smul.u32 $0xF7A, s1;
	s8 =	simm.s32 @!p0 $0x1BF5;
	p2 =	por !p2, p0  }
0x20: {  	[sflag:s8] =	ssyncset.s32 @!p0 $0xFFFFF086;
	s6 =	sadd.s32 @!p0 s3, s7;
	s7 =	simm.s32 @!p0 $0x108  }
0x21: {  	s3 =	sadd.s32 s3, s9;
	s6 =	sadd.s32 @!p0 $0x88, s6;
	s7 =	simm.s32 @p2 $0x1082  }
0x22: {  	[simem:s7], [sflag:s8] =	dma.local @!p0 [hbm:s6], $0xF7A  }
0x23: {  	s9 =	sor.u32 $0xD0000000, s2;
	s6 =	simm.s32 $0x108;
	_ =	swait.ge @!p0 [sflag:s8], $0x0  }
0x24: {  	s3 =	sadd.s32 $0x88, s3;
	s6 =	simm.s32 @!p1 $0x1082;
	[sflag:s4] =	ssyncset.s32 $0xFFFFF086  }
0x25: {  	[simem:s6], [sflag:s4] =	dma.local [hbm:s3], $0xF7A  }
0x26: {  	[smem:$0x3F94] =	sst s1;
	(tag) =	ssettag s2;
	_ =	strace s9  }
0x27: {  	s1 =	sld [smem:$0x3FA4]  }
0x28: {  	s2 =	sld [smem:$0x3FA5]  }
0x29: {  	s4 =	sld [smem:$0x3FA7]  }
0x2a: {  	p0 =	seq.s32 s5, $0x0;
	s5 =	sld [smem:$0x3FA8]  }
0x2b: {  	s6 =	sld [smem:$0x3FA9]  }
0x2c: {  	s7 =	sld [smem:$0x3FAA]  }
0x2d: {  	s3 =	simm.s32 $0x108;
	s8 =	sld [smem:$0x3FAB]  }
0x2e: {  	s3 =	simm.s32 @!p0 $0x1082;
	s9 =	sld [smem:$0x3FAC]  }
0x2f: {  	lr =	sadd.s32 s0, s3;
	s0 =	sld [smem:$0x3FA3]  }
0x30: {  	s3 =	sld [smem:$0x3FA6]  }
0x31: {  	[smem:$0x3FAF] =	sst s10  }
0x32: {  	s10 =	sld [smem:$0x3FAD];
	_ =	sdelay $0x3  }
0x33: {  	p0 =	seq.s32 s10, $0x1;
	s10 =	sld [smem:$0x3FAF];
	_ =	sdelay $0x3  }
0x34: {  	[smem:$0x3FAF] =	sst s10  }
0x35: {  	s10 =	sld [smem:$0x3FAE];
	_ =	sdelay $0x3  }
0x36: {  	p1 =	seq.s32 s10, $0x1;
	s10 =	sld [smem:$0x3FAF];
	_ =	sdelay $0x3  }
0x37: {  	[smem:$0x3FAF] =	sst s10  }
0x38: {  	s10 =	sld [smem:$0x3FB0]  }
0x39: {  	_ = 	snop;
	(pc) =	sbr.ind lr, $3  }
0x3a: {  	_ = 	snop  }
0x3b: {  	_ = 	snop  }
0x3c: {  	p2 =	seq.s32 s10, $0x1;
	s10 =	sld [smem:$0x3FAF]  }
0x3d: {  	_ =	shalt  }
0x3e: {  	_ =	shalt  }
0x3f: {  	_ =	shalt  }
0x40: {  	_ =	shalt  }
0x41: {  	_ =	shalt  }
0x42: {  	_ =	shalt  }
0x43: {  	_ =	shalt  }
0x44: {  	_ =	shalt  }
0x45: {  	_ =	shalt  }
0x46: {  	_ =	shalt  }
0x47: {  	_ =	shalt  }
0x48: {  	_ =	shalt  }
0x49: {  	_ =	shalt  }
0x4a: {  	_ =	shalt  }
0x4b: {  	_ =	shalt  }
0x4c: {  	_ =	shalt  }
0x4d: {  	_ =	shalt  }
0x4e: {  	_ =	shalt  }
0x4f: {  	_ =	shalt  }
0x50: {  	_ =	shalt  }
0x51: {  	_ =	shalt  }
0x52: {  	_ =	shalt  }
0x53: {  	_ =	shalt  }
0x54: {  	_ =	shalt  }
0x55: {  	_ =	shalt  }
0x56: {  	_ =	shalt  }
0x57: {  	_ =	shalt  }
0x58: {  	_ =	shalt  }
0x59: {  	_ =	shalt  }
0x5a: {  	_ =	shalt  }
0x5b: {  	_ =	shalt  }
0x5c: {  	_ =	shalt  }
0x5d: {  	_ =	shalt  }
0x5e: {  	_ =	shalt  }
0x5f: {  	_ =	shalt  }
0x60: {  	_ =	shalt  }
0x61: {  	_ =	shalt  }
0x62: {  	_ =	shalt  }
0x63: {  	_ =	shalt  }
0x64: {  	_ =	shalt  }
0x65: {  	_ =	shalt  }
0x66: {  	_ =	shalt  }
0x67: {  	_ =	shalt  }
0x68: {  	_ =	shalt  }
0x69: {  	_ =	shalt  }
0x6a: {  	_ =	shalt  }
0x6b: {  	_ =	shalt  }
0x6c: {  	_ =	shalt  }
0x6d: {  	_ =	shalt  }
0x6e: {  	_ =	shalt  }
0x6f: {  	_ =	shalt  }
0x70: {  	_ =	shalt  }
0x71: {  	_ =	shalt  }
0x72: {  	_ =	shalt  }
0x73: {  	_ =	shalt  }
0x74: {  	_ =	shalt  }
0x75: {  	_ =	shalt  }
0x76: {  	_ =	shalt  }
0x77: {  	_ =	shalt  }
0x78: {  	_ =	shalt  }
0x79: {  	_ =	shalt  }
0x7a: {  	_ =	shalt  }
0x7b: {  	_ =	shalt  }
0x7c: {  	_ =	shalt  }
0x7d: {  	_ =	shalt  }
0x7e: {  	_ =	shalt  }
0x7f: {  	_ =	shalt  }
0x80: {  	_ =	shalt  }
0x81: {  	_ =	shalt  }
0x82: {  	_ =	shalt  }
0x83: {  	_ =	shalt  }
0x84: {  	_ =	shalt  }
0x85: {  	_ =	shalt  }
0x86: {  	_ =	shalt  }
0x87: {  	_ =	shalt  }
.Lfunc_end0:
.L_simem_size_0:
called_computation.1_lowered:
.L_overlay_start_0:
0x88: {  	s2 =	sld [smem:$0x3FD9]  }
0x89: {  	s3 =	sld [smem:$0x3FFE];
	_ =	sdelay $0x1  }
0x8a: {  	s1 =	srdreg.scid  }
0x8b: {  	s0 =	sand.u32 $0x1, s1  }
0x8c: {  	s16 =	sshll.u32 s0, $0xA;
	s2 =	sadd.s32 s3, s2  }
0x8d: {  	s2 =	sadd.s32 s2, s16  }
0x8e: {  	[smem:$0x3FBB] =	sst s2  }
0x8f: {  	_ = 	snop  }
0x90: {  	(tm) =	ssettm $0x1  }
0x91: {  	s17 =	sld [smem:$0x3FFB];
	_ =	sdelay $0x3  }
0x92: {  	_ =	strace s17  }
0x93: {  	s2 =	sld [smem:$0x3FFC];
	_ =	sdelay $0x3  }
0x94: {  	_ =	strace s2  }
0x95: {  	s2 =	sld [smem:$0x3FFD];
	_ =	sdelay $0x3  }
0x96: {  	_ =	strace s2  }
0x97: {  	_ =	strace $0x8FFFFFFF  }
0x98: {  	s18 =	sld [smem:$0x3FDB];
	_ =	sdelay $0x1  }
0x99: {  	s19 =	simm.s32 $_scs_section_size  }
0x9a: {  	s4 =	simm.s32 $_size__tile_overlayer_lowered;
	s5 =	simm.s32 $_tile_overlayer_lowered  }
0x9b: {  	s22 =	simm.s32 $0x1BFF;
	s21 =	sshll.u32 s5, $0x1;
	s2 =	sadd.s32 s19, s18  }
0x9c: {  	s6 =	simm.s32 $0x0;
	s20 =	sshll.u32 s4, $0x1;
	s4 =	sadd.s32 s21, s2  }
0x9d: {  	[timem:s6], [sflag:s22] =	dma.local [hbm:s4], s20  }
0x9e: {  	_ =	swait.ge [sflag:s22], s20  }
0x9f: {  	s3 =	ssub.s32 $0x0, s20;
	[sflag:s22] =	ssyncset.done $0x0  }
0xa0: {  	[sflag:s22] =	ssyncadd.s32 s3;
	_ =	sdelay $0x1  }
0xa1: {  	s23 =	simm.s32 $0x1B8B  }
0xa2: {  	_ =	swait.ge [sflag:s23], $0x1  }
0xa3: {  	[sflag:s23] =	ssyncset.done $0x0  }
0xa4: {  	s25 =	simm.s32 $0x1B8E;
	s24 =	sld [smem:$0x3FFE];
	[sflag:s23] =	ssyncadd.s32 $0xFFFFFFFF  }
0xa5: {  	s26 =	simm.s32 $execute0_lowered;
	[smem:$0x3FD2] =	sst s25  }
0xa6: {  	s4 =	sshll.u32 s26, $0x1;
	_ =	strace $0x80000049;
	[dreg:$0x1] =	wrdreg $0xFFFFFFFF  }
0xa7: {  	s28 =	simm.s32 $_size_execute0_lowered;
	s2 =	sadd.s32 s2, s4;
	[dreg:$0x0] =	wrdreg $0x0  }
0xa8: {  	s4 =	sshll.u32 s28, $0x1;
	[dreg:$0x2] =	wrdreg s2  }
0xa9: {  	[dreg:$0x3] =	wrdreg s4  }
0xaa: {  	[dreg:$0x4] =	wrdreg $0xC0  }
0xab: {  	_ =	task [dreg:s6], $0x5FFFF  }
0xac: {  	[dreg:$0x1] =	wrdreg $0xFFFFFFFF  }
0xad: {  	[dreg:$0x0] =	wrdreg $0x60  }
0xae: {  	[dreg:$0x2] =	wrdreg s24  }
0xaf: {  	[dreg:$0x3] =	wrdreg $0x17C000  }
0xb0: {  	[dreg:$0x4] =	wrdreg $0x9  }
0xb1: {  	_ =	task.clear_ibuf [dreg:s6], $0x5FFFF;
	_ =	strace $0x90000049  }
0xb2: {  	s29 =	simm.s32 $0x9;
	_ =	strace $0x8000004B  }
0xb3: {  	_ =	swait.ge [sflag:s29], $0x1  }
0xb4: {  	[sflag:s29] =	ssyncadd.s32 $0xFFFFFFFF  }
0xb5: {  	_ =	strace $0x9000004B  }
0xb6: {  	_ =	sfence  }
0xb7: {  	s30 =	sld [smem:$0x0];
	_ =	sdelay $0x2  }
0xb8: {  	s31 =	sshll.u32 s1, $0xD;
	s1 =	sshrl.u32 s1, $0x2  }
0xb9: {  	s3 =	sand.u32 $0x4000, s31;
	s1 =	sadd.s32 s1, s30  }
0xba: {  	s0 =	sor.u32 s3, s0;
	s1 =	sshll.u32 s1, $0x11  }
0xbb: {  	s0 =	sor.u32 s1, s0  }
0xbc: {  	s0 =	sadd.s32 $0x8F2B, s0  }
0xbd: {  	[sflag:s0] =	ssyncadd.remote.s32 $0x1  }
0xbe: {  	_ =	sfence.sel $0xFFFF  }
0xbf: {  	[dreg:$0x0] =	wrdreg $0xFFFFFFFF;
	(pc) =	sbr.abs _section_cstart, $3  }
0xc0: {  	[dreg:$0x1] =	wrdreg $0xFFFFFFFF  }
0xc1: {  	_ =	task.clear_ibuf [dreg:s6], $0x2FFFF;
	_ =	strace $0x9FFFFFFF  }
0xc2: {  	(tm) =	ssettm $0x7FFFFFFF  }
0xc3: {  	_ =	shalt  }
tec
execute0_lowered:
.L_overlay_start_1:
0x0: {  	(tag) =	ssettag $0x1  }
0x1: {  	s6 =	rddreg [dreg:$0x0]  }
0x2: {  	s0 =	srdreg.scid;
	s2 =	rddreg [dreg:$0x1]  }
0x3: {  	s3 =	simm.s32 $0x0;
	s13 =	simm.s32 $0x9E00;
	s14 =	simm.s32 $0x80  }
0x4: {  	s15 =	simm.s32 $0x13C00;
	s16 =	simm.s32 $0x14C00;
	s17 =	simm.s32 $0x100  }
0x5: {  	s18 =	simm.s32 $0x15C00;
	s19 =	simm.s32 $0x1;
	s20 =	simm.s32 $0x16C00  }
0x6: {  	s21 =	simm.s32 $0x13A00;
	s22 =	simm.s32 $0x9D80;
	s23 =	simm.s32 $0x13A80  }
0x7: {  	s24 =	simm.s32 $0x13B00;
	s5 =	sand.u32 $0x1, s0;
	s0 =	stileid.u32  }
0x8: {  	s25 =	simm.s32 $0x13B80;
	s26 =	simm.s32 $0x0;
	s8 =	smul.u32 $0x4F00, s0  }
0x9: {  	[smem:$0x7FF] =	sst s3;
	s4 =	sadd.s32 $0x2E00, s6;
	s9 =	smul.u32 $0x4F000, s5  }
0xa: {  	s1 =	sshll.u32 s5, $0x4;
	s10 =	smul.u32 $0x13C0, s0;
	s11 =	ssub.s32 $0x2, s5  }
0xb: {  	s5 =	sadd.s32 $0x16A00, s6;
	s31 =	sshll.u32 s0, $0x6;
	s1 =	sor.u32 s0, s1  }
0xc: {  	s30 =	sshrl.u32 s11, $0x1;
	s7 =	smul.u32 $0x13C0, s1;
	s1 =	rddreg [dreg:$0x2]  }
0xd: {  	_ =	strace $0x8000004A;
	s9 =	sadd.s32 s8, s9;
	s10 =	sadd.s32 s10, s6  }
0xe: {  	s11 =	ssub.s32 s11, s30;
	s12 =	sadd.s32 s8, s2;
	s9 =	sshrl.u32 s9, $0x3  }
0xf: {  	s8 =	sadd.s32 $0x21400, s10;
	s10 =	smax.u32 s11, $0x1;
	s11 =	sshrl.u32 s12, $0x3  }
0x10: {  	s12 =	simm.s32 $0x2;
	s7 =	sadd.s32 s7, s6;
	s9 =	sadd.s32 s9, s6  }
0x11: {  	s6 =	sor.u32 $0x1C02, s31;
	s7 =	sadd.s32 $0x35000, s7;
	s9 =	sadd.s32 $0x5C800, s9  }
.LBB2_1:
0x12: {  	[spmem:s11], [sflag:s6] =	dma.local [hbm:s5], $0x9E0  }
0x13: {  	_ =	swait.ge [sflag:s12], $0x9E0  }
0x14: {  	[sflag:s12] =	ssyncset.done $0x0  }
0x15: {  	[sflag:s12] =	ssyncadd.s32 $0xFFFFF620  }
0x16: {  	[tilespmem:s3], [sflag:$0x2] =	stream.linear.gather [hbm4b:s7+s3], $0x9E00, $0x38;
	[tilespmem:$0x1CB00] =	vst v63  }
0x17: {  	_ =	swait.ge [sflag:s12], $0x9E00  }
0x18: {  	[sflag:s12] =	ssyncset.done $0x0  }
0x19: {  	[sflag:s12] =	ssyncadd.s32 $0xFFFF6200  }
0x1a: {  	[tilespmem:s13], [sflag:$0x2] =	stream.linear.gather [hbm4b:s8+s3], $0x9E00, $0x38;
	[tilespmem:$0x1CB00] =	vst v63  }
0x1b: {  	_ =	swait.ge [sflag:s12], $0x9E00  }
0x1c: {  	[sflag:s12] =	ssyncset.done $0x0  }
0x1d: {  	[sflag:s12] =	ssyncadd.s32 $0xFFFF6200  }
0x1e: {  	[bflag:$0x0] =	sbarrier.arrive $0xFFFF  }
0x1f: {  	[tilespmem:s15], [sflag:$0x1] =	stream.indirect.gather [hbm4b:s4+s14], $0x20, s3, s14, $0xb8;
	[tilespmem:$0x1CB00] =	vst v63  }
0x20: {  	_ = 	snop  }
0x21: {  	[tilespmem:s16], [sflag:$0x1] =	stream.indirect.gather [hbm4b:s4+s14], $0x20, s14, s14, $0xb8;
	[tilespmem:$0x1CB00] =	vst v63  }
0x22: {  	_ = 	snop  }
0x23: {  	[tilespmem:s18], [sflag:$0x1] =	stream.indirect.gather [hbm4b:s4+s14], $0x20, s17, s14, $0xb8;
	[tilespmem:$0x1CB00] =	vst v63  }
0x24: {  	_ =	swait.ge [sflag:s19], $0x1000  }
0x25: {  	[sflag:s19] =	ssyncset.done $0x0  }
0x26: {  	s28 =	simm.s32 $0x9E00;
	[sflag:s19] =	ssyncadd.s32 $0xFFFFF000  }
0x27: {  	[spmem:s2] =	stream.indirect.scatter.add.f32 [tilespmem:s15], [sflag:$0x2], $0x20, s28, s14, $0xb8;
	[tilespmem:$0x1CB00] =	vst v63  }
0x28: {  	_ =	swait.ge [sflag:s12], $0x1000  }
0x29: {  	[sflag:s12] =	ssyncset.done $0x0  }
0x2a: {  	s28 =	simm.s32 $0x180;
	[sflag:s12] =	ssyncadd.s32 $0xFFFFF000  }
0x2b: {  	[tilespmem:s20], [sflag:$0x1] =	stream.indirect.gather [hbm4b:s4+s14], $0x20, s28, s14, $0xb8;
	[tilespmem:$0x1CB00] =	vst v63  }
0x2c: {  	_ =	swait.ge [sflag:s19], $0x1000  }
0x2d: {  	[sflag:s19] =	ssyncset.done $0x0  }
0x2e: {  	s28 =	simm.s32 $0x9E80;
	[sflag:s19] =	ssyncadd.s32 $0xFFFFF000  }
0x2f: {  	[spmem:s2] =	stream.indirect.scatter.add.f32 [tilespmem:s16], [sflag:$0x2], $0x20, s28, s14, $0xb8;
	[tilespmem:$0x1CB00] =	vst v63  }
0x30: {  	_ =	swait.ge [sflag:s12], $0x1000  }
0x31: {  	[sflag:s12] =	ssyncset.done $0x0  }
0x32: {  	s28 =	simm.s32 $0x200;
	[sflag:s12] =	ssyncadd.s32 $0xFFFFF000  }
0x33: {  	[tilespmem:s15], [sflag:$0x1] =	stream.indirect.gather [hbm4b:s4+s14], $0x20, s28, s14, $0xb8;
	[tilespmem:$0x1CB00] =	vst v63  }
0x34: {  	_ =	swait.ge [sflag:s19], $0x1000  }
0x35: {  	[sflag:s19] =	ssyncset.done $0x0  }
0x36: {  	s28 =	simm.s32 $0x9F00;
	[sflag:s19] =	ssyncadd.s32 $0xFFFFF000  }
0x37: {  	[spmem:s2] =	stream.indirect.scatter.add.f32 [tilespmem:s18], [sflag:$0x2], $0x20, s28, s14, $0xb8;
	[tilespmem:$0x1CB00] =	vst v63  }
0x38: {  	_ =	swait.ge [sflag:s12], $0x1000  }
0x39: {  	[sflag:s12] =	ssyncset.done $0x0  }
0x3a: {  	s28 =	simm.s32 $0x280;
	[sflag:s12] =	ssyncadd.s32 $0xFFFFF000  }
0x3b: {  	[tilespmem:s16], [sflag:$0x1] =	stream.indirect.gather [hbm4b:s4+s14], $0x20, s28, s14, $0xb8;
	[tilespmem:$0x1CB00] =	vst v63  }
0x3c: {  	_ =	swait.ge [sflag:s19], $0x1000  }
0x3d: {  	[sflag:s19] =	ssyncset.done $0x0  }
0x3e: {  	s28 =	simm.s32 $0x9F80;
	[sflag:s19] =	ssyncadd.s32 $0xFFFFF000  }
0x3f: {  	[spmem:s2] =	stream.indirect.scatter.add.f32 [tilespmem:s20], [sflag:$0x2], $0x20, s28, s14, $0xb8;
	[tilespmem:$0x1CB00] =	vst v63  }
0x40: {  	_ =	swait.ge [sflag:s12], $0x1000  }
0x41: {  	[sflag:s12] =	ssyncset.done $0x0  }
0x42: {  	s29 =	simm.s32 $0x300;
	s28 =	simm.s32 $0x800;
	[sflag:s12] =	ssyncadd.s32 $0xFFFFF000  }
.LBB2_2:
0x43: {  	[tilespmem:s18], [sflag:$0x1] =	stream.indirect.gather [hbm4b:s4+s14], $0x20, s29, s14, $0xb8;
	[tilespmem:$0x1CB00] =	vst v63  }
0x44: {  	s29 =	smov.u32 s28  }
0x45: {  	p0 =	sne.s32 s28, $0x26800;
	s28 =	sadd.s32 $0x800, s28;
	_ =	swait.ge [sflag:s19], $0x1000  }
0x46: {  	s29 =	sshra.s32 s29, $0x2;
	[sflag:s19] =	ssyncset.done $0x0  }
0x47: {  	s30 =	sadd.s32 $0x9E00, s29;
	[sflag:s19] =	ssyncadd.s32 $0xFFFFF000  }
0x48: {  	[spmem:s2] =	stream.indirect.scatter.add.f32 [tilespmem:s15], [sflag:$0x2], $0x20, s30, s14, $0xb8;
	[tilespmem:$0x1CB00] =	vst v63  }
0x49: {  	_ =	swait.ge [sflag:s12], $0x1000  }
0x4a: {  	[sflag:s12] =	ssyncset.done $0x0  }
0x4b: {  	s30 =	sadd.s32 $0x180, s29;
	[sflag:s12] =	ssyncadd.s32 $0xFFFFF000  }
0x4c: {  	[tilespmem:s20], [sflag:$0x1] =	stream.indirect.gather [hbm4b:s4+s14], $0x20, s30, s14, $0xb8;
	[tilespmem:$0x1CB00] =	vst v63  }
0x4d: {  	_ =	swait.ge [sflag:s19], $0x1000  }
0x4e: {  	[sflag:s19] =	ssyncset.done $0x0  }
0x4f: {  	s30 =	sadd.s32 $0x9E80, s29;
	[sflag:s19] =	ssyncadd.s32 $0xFFFFF000  }
0x50: {  	[spmem:s2] =	stream.indirect.scatter.add.f32 [tilespmem:s16], [sflag:$0x2], $0x20, s30, s14, $0xb8;
	[tilespmem:$0x1CB00] =	vst v63  }
0x51: {  	_ =	swait.ge [sflag:s12], $0x1000  }
0x52: {  	[sflag:s12] =	ssyncset.done $0x0  }
0x53: {  	s30 =	sadd.s32 $0x200, s29;
	[sflag:s12] =	ssyncadd.s32 $0xFFFFF000  }
0x54: {  	[tilespmem:s15], [sflag:$0x1] =	stream.indirect.gather [hbm4b:s4+s14], $0x20, s30, s14, $0xb8;
	[tilespmem:$0x1CB00] =	vst v63  }
0x55: {  	_ =	swait.ge [sflag:s19], $0x1000  }
0x56: {  	[sflag:s19] =	ssyncset.done $0x0  }
0x57: {  	s30 =	sadd.s32 $0x9F00, s29;
	[sflag:s19] =	ssyncadd.s32 $0xFFFFF000  }
0x58: {  	[spmem:s2] =	stream.indirect.scatter.add.f32 [tilespmem:s18], [sflag:$0x2], $0x20, s30, s14, $0xb8;
	[tilespmem:$0x1CB00] =	vst v63  }
0x59: {  	_ =	swait.ge [sflag:s12], $0x1000  }
0x5a: {  	[sflag:s12] =	ssyncset.done $0x0  }
0x5b: {  	s30 =	sadd.s32 $0x280, s29;
	[sflag:s12] =	ssyncadd.s32 $0xFFFFF000  }
0x5c: {  	[tilespmem:s16], [sflag:$0x1] =	stream.indirect.gather [hbm4b:s4+s14], $0x20, s30, s14, $0xb8;
	[tilespmem:$0x1CB00] =	vst v63  }
0x5d: {  	_ =	swait.ge [sflag:s19], $0x1000  }
0x5e: {  	[sflag:s19] =	ssyncset.done $0x0  }
.Ltmp0:
0x5f: {  	s30 =	sadd.s32 $0x9F80, s29;
	[sflag:s19] =	ssyncadd.s32 $0xFFFFF000;
	(pc) =	sbr.rel @p0 .LBB2_2-.Ltmp0, $4  }
0x60: {  	[spmem:s2] =	stream.indirect.scatter.add.f32 [tilespmem:s20], [sflag:$0x2], $0x20, s30, s14, $0xb8;
	[tilespmem:$0x1CB00] =	vst v63  }
0x61: {  	_ =	swait.ge [sflag:s12], $0x1000  }
0x62: {  	[sflag:s12] =	ssyncset.done $0x0  }
0x63: {  	s29 =	sadd.s32 $0x300, s29;
	[sflag:s12] =	ssyncadd.s32 $0xFFFFF000  }
0x64: {  	[tilespmem:s18], [sflag:$0x1] =	stream.indirect.gather [hbm4b:s4+s14], $0x20, s29, s14, $0xb8;
	[tilespmem:$0x1CB00] =	vst v63  }
0x65: {  	_ =	swait.ge [sflag:s19], $0x1000  }
0x66: {  	[sflag:s19] =	ssyncset.done $0x0  }
0x67: {  	[sflag:s19] =	ssyncadd.s32 $0xFFFFF000  }
0x68: {  	[spmem:s2] =	stream.indirect.scatter.add.f32 [tilespmem:s15], [sflag:$0x2], $0x20, s21, s14, $0xb8;
	[tilespmem:$0x1CB00] =	vst v63  }
0x69: {  	_ =	swait.ge [sflag:s12], $0x1000  }
0x6a: {  	[sflag:s12] =	ssyncset.done $0x0  }
0x6b: {  	[sflag:s12] =	ssyncadd.s32 $0xFFFFF000  }
0x6c: {  	[tilespmem:s20], [sflag:$0x1] =	stream.indirect.gather [hbm4b:s4+s14], $0x20, s22, s14, $0xb8;
	[tilespmem:$0x1CB00] =	vst v63  }
0x6d: {  	_ =	swait.ge [sflag:s19], $0x1000  }
0x6e: {  	[sflag:s19] =	ssyncset.done $0x0  }
0x6f: {  	[sflag:s19] =	ssyncadd.s32 $0xFFFFF000  }
0x70: {  	[spmem:s2] =	stream.indirect.scatter.add.f32 [tilespmem:s16], [sflag:$0x2], $0x20, s23, s14, $0xb8;
	[tilespmem:$0x1CB00] =	vst v63  }
0x71: {  	_ =	swait.ge [sflag:s12], $0x1000  }
0x72: {  	[sflag:s12] =	ssyncset.done $0x0  }
0x73: {  	[sflag:s12] =	ssyncadd.s32 $0xFFFFF000  }
0x74: {  	_ =	swait.ge [sflag:s19], $0x1000  }
0x75: {  	[sflag:s19] =	ssyncset.done $0x0  }
0x76: {  	[sflag:s19] =	ssyncadd.s32 $0xFFFFF000  }
0x77: {  	[spmem:s2] =	stream.indirect.scatter.add.f32 [tilespmem:s18], [sflag:$0x2], $0x20, s24, s14, $0xb8;
	[tilespmem:$0x1CB00] =	vst v63  }
0x78: {  	_ =	swait.ge [sflag:s12], $0x1000  }
0x79: {  	[sflag:s12] =	ssyncset.done $0x0  }
0x7a: {  	[sflag:s12] =	ssyncadd.s32 $0xFFFFF000  }
0x7b: {  	_ =	swait.ge [sflag:s19], $0x1000  }
0x7c: {  	[sflag:s19] =	ssyncset.done $0x0  }
0x7d: {  	[sflag:s19] =	ssyncadd.s32 $0xFFFFF000  }
0x7e: {  	[spmem:s2] =	stream.indirect.scatter.add.f32 [tilespmem:s20], [sflag:$0x2], $0x20, s25, s14, $0xb8;
	[tilespmem:$0x1CB00] =	vst v63  }
0x7f: {  	_ =	swait.ge [sflag:s12], $0x1000  }
0x80: {  	s26 =	sadd.s32 $0x1, s26;
	[sflag:s12] =	ssyncset.done $0x0  }
0x81: {  	p0 =	sne.s32 s26, s10;
	[sflag:s12] =	ssyncadd.s32 $0xFFFFF000  }
.Ltmp1:
0x82: {  	[bflag:$0x0] =	sbarrier.arrive $0xFFFF;
	(pc) =	sbr.rel @p0 .LBB2_1-.Ltmp1, $4  }
0x83: {  	[hbm:s9], [sflag:s6] =	dma.local [spmem:s11], $0x9E0  }
0x84: {  	_ =	swait.ge [sflag:s12], $0x9E0  }
0x85: {  	[sflag:s12] =	ssyncset.done $0x0  }
0x86: {  	[sflag:s12] =	ssyncadd.s32 $0xFFFFF620  }
0x87: {  	_ =	sfence.sel $0x180000  }
0x88: {  	[bflag:$0x0] =	sbarrier.arrive $0xFFFF  }
0x89: {  	p0 =	sne.s32 s0, $0x0;
	_ =	strace $0x9000004A  }
0x8a: {  	s0 =	sadd.s32 @!p0 $0x100000, s1;
	[bflag:$0x2] =	sbarrier.arrive $0xFFFF  }
0x8b: {  	[sflag:s0] =	ssyncadd.tile.s32 @!p0 $0x1;
	_ =	shalt  }
.Lfunc_end2:
_tile_overlayer_lowered:
.L_overlay_start_2:
0x8c: {  	(tag) =	ssettag $0x2  }
0x8d: {  	s0 =	rddreg [dreg:$0x0];
	s2 =	stileid.u32  }
0x8e: {  	s1 =	rddreg [dreg:$0x1];
	p0 =	sne.s32 s2, $0x0  }
0x8f: {  	s3 =	rddreg [dreg:$0x2];
	[bflag:$0x3] =	sbarrier.arrive $0xFFFF;
	s2 =	simm.s32 @!p0 $0x1C02  }
0x90: {  	[timem:s3], [sflag:s2] =	dma.local @!p0 [hbm:s0], s1  }
0x91: {  	s0 =	simm.s32 @!p0 $0x2  }
0x92: {  	_ =	swait.ge @!p0 [sflag:s0], s1  }
0x93: {  	s1 =	ssub.s32 @!p0 $0x0, s1;
	[sflag:s0] =	ssyncset.done @!p0 $0x0  }
0x94: {  	[sflag:s0] =	ssyncadd.s32 @!p0 s1  }
0x95: {  	[bflag:$0x3] =	sbarrier.arrive $0xFFFF  }
0x96: {  	_ =	shalt  }

// kernel: kernel.15.cloned.1.call-start
scs
__scs_entry_jumppad:
0x0: {  	(pc) =	sbr.rel $0x88, $3  }
0x1: {  	(tag) =	ssettag $0x0;
	lr =	simm.s32 $0x1  }
0x2: {  	[smem:$0x3F94] =	sst lr;
	_ =	strace $0xD0000000  }
0x3: {  	_ = 	snop  }
0x4: {  	_ = 	snop  }
0x5: {  	_ = 	snop  }
0x6: {  	_ = 	snop  }
0x7: {  	_ = 	snop  }
__scs_overlays_trampoline_lowered:
0x8: {  	[smem:$0x3FA3] =	sst s0  }
0x9: {  	[smem:$0x3FA4] =	sst s1  }
0xa: {  	[smem:$0x3FA5] =	sst s2  }
0xb: {  	[smem:$0x3FA6] =	sst s3  }
0xc: {  	[smem:$0x3FA7] =	sst s4  }
0xd: {  	[smem:$0x3FA8] =	sst s5  }
0xe: {  	[smem:$0x3FA9] =	sst s6  }
0xf: {  	[smem:$0x3FAA] =	sst s7  }
0x10: {  	[smem:$0x3FAB] =	sst s8  }
0x11: {  	[smem:$0x3FAC] =	sst s9;
	s0 =	simm.s32 @!p0 $0x0  }
0x12: {  	s1 =	sld [smem:$0x3F92];
	s0 =	simm.s32 @p0 $0x1  }
0x13: {  	[smem:$0x3FAD] =	sst s0;
	s0 =	simm.s32 @!p1 $0x0  }
0x14: {  	s2 =	sld [smem:$0x3F91];
	s0 =	simm.s32 @p1 $0x1  }
0x15: {  	[smem:$0x3FAE] =	sst s0;
	s0 =	simm.s32 @!p2 $0x0  }
0x16: {  	s3 =	sld [smem:$0x3FDB];
	s0 =	simm.s32 @p2 $0x1  }
0x17: {  	s4 =	simm.s32 $0x1BF5;
	[smem:$0x3FB0] =	sst s0  }
0x18: {  	s0 =	sld [smem:$0x3F93];
	_ =	swait.ge [sflag:s4], $0x0  }
0x19: {  	s7 =	sld [smem:$0x3F94]  }
0x1a: {  	s8 =	sadd.s32 $0xFFFFE003, lr  }
0x1b: {  	s9 =	sadd.s32 $0xFFFFFEF7, lr;
	s5 =	simm.s32 $0xFFFFFFFF;
	p2 =	slt.u32 s8, $0xFFFFF086  }
0x1c: {  	p1 =	slt.u32 s9, $0xF7A;
	s5 =	simm.s32 @!p2 $0x0  }
0x1d: {  	s5 =	simm.s32 @p1 $0x1;
	p0 =	seq.s32 s7, s2  }
0x1e: {  	s7 =	smul.u32 @!p0 $0xF7A, s2;
	p2 =	seq.s32 @!p0 s5, $0x0  }
0x1f: {  	s9 =	smul.u32 $0xF7A, s1;
	s8 =	simm.s32 @!p0 $0x1BF5;
	p2 =	por !p2, p0  }
0x20: {  	[sflag:s8] =	ssyncset.s32 @!p0 $0xFFFFF086;
	s6 =	sadd.s32 @!p0 s3, s7;
	s7 =	simm.s32 @!p0 $0x108  }
0x21: {  	s3 =	sadd.s32 s3, s9;
	s6 =	sadd.s32 @!p0 $0x88, s6;
	s7 =	simm.s32 @p2 $0x1082  }
0x22: {  	[simem:s7], [sflag:s8] =	dma.local @!p0 [hbm:s6], $0xF7A  }
0x23: {  	s9 =	sor.u32 $0xD0000000, s2;
	s6 =	simm.s32 $0x108;
	_ =	swait.ge @!p0 [sflag:s8], $0x0  }
0x24: {  	s3 =	sadd.s32 $0x88, s3;
	s6 =	simm.s32 @!p1 $0x1082;
	[sflag:s4] =	ssyncset.s32 $0xFFFFF086  }
0x25: {  	[simem:s6], [sflag:s4] =	dma.local [hbm:s3], $0xF7A  }
0x26: {  	[smem:$0x3F94] =	sst s1;
	(tag) =	ssettag s2;
	_ =	strace s9  }
0x27: {  	s1 =	sld [smem:$0x3FA4]  }
0x28: {  	s2 =	sld [smem:$0x3FA5]  }
0x29: {  	s4 =	sld [smem:$0x3FA7]  }
0x2a: {  	p0 =	seq.s32 s5, $0x0;
	s5 =	sld [smem:$0x3FA8]  }
0x2b: {  	s6 =	sld [smem:$0x3FA9]  }
0x2c: {  	s7 =	sld [smem:$0x3FAA]  }
0x2d: {  	s3 =	simm.s32 $0x108;
	s8 =	sld [smem:$0x3FAB]  }
0x2e: {  	s3 =	simm.s32 @!p0 $0x1082;
	s9 =	sld [smem:$0x3FAC]  }
0x2f: {  	lr =	sadd.s32 s0, s3;
	s0 =	sld [smem:$0x3FA3]  }
0x30: {  	s3 =	sld [smem:$0x3FA6]  }
0x31: {  	[smem:$0x3FAF] =	sst s10  }
0x32: {  	s10 =	sld [smem:$0x3FAD];
	_ =	sdelay $0x3  }
0x33: {  	p0 =	seq.s32 s10, $0x1;
	s10 =	sld [smem:$0x3FAF];
	_ =	sdelay $0x3  }
0x34: {  	[smem:$0x3FAF] =	sst s10  }
0x35: {  	s10 =	sld [smem:$0x3FAE];
	_ =	sdelay $0x3  }
0x36: {  	p1 =	seq.s32 s10, $0x1;
	s10 =	sld [smem:$0x3FAF];
	_ =	sdelay $0x3  }
0x37: {  	[smem:$0x3FAF] =	sst s10  }
0x38: {  	s10 =	sld [smem:$0x3FB0]  }
0x39: {  	_ = 	snop;
	(pc) =	sbr.ind lr, $3  }
0x3a: {  	_ = 	snop  }
0x3b: {  	_ = 	snop  }
0x3c: {  	p2 =	seq.s32 s10, $0x1;
	s10 =	sld [smem:$0x3FAF]  }
0x3d: {  	_ =	shalt  }
0x3e: {  	_ =	shalt  }
0x3f: {  	_ =	shalt  }
0x40: {  	_ =	shalt  }
0x41: {  	_ =	shalt  }
0x42: {  	_ =	shalt  }
0x43: {  	_ =	shalt  }
0x44: {  	_ =	shalt  }
0x45: {  	_ =	shalt  }
0x46: {  	_ =	shalt  }
0x47: {  	_ =	shalt  }
0x48: {  	_ =	shalt  }
0x49: {  	_ =	shalt  }
0x4a: {  	_ =	shalt  }
0x4b: {  	_ =	shalt  }
0x4c: {  	_ =	shalt  }
0x4d: {  	_ =	shalt  }
0x4e: {  	_ =	shalt  }
0x4f: {  	_ =	shalt  }
0x50: {  	_ =	shalt  }
0x51: {  	_ =	shalt  }
0x52: {  	_ =	shalt  }
0x53: {  	_ =	shalt  }
0x54: {  	_ =	shalt  }
0x55: {  	_ =	shalt  }
0x56: {  	_ =	shalt  }
0x57: {  	_ =	shalt  }
0x58: {  	_ =	shalt  }
0x59: {  	_ =	shalt  }
0x5a: {  	_ =	shalt  }
0x5b: {  	_ =	shalt  }
0x5c: {  	_ =	shalt  }
0x5d: {  	_ =	shalt  }
0x5e: {  	_ =	shalt  }
0x5f: {  	_ =	shalt  }
0x60: {  	_ =	shalt  }
0x61: {  	_ =	shalt  }
0x62: {  	_ =	shalt  }
0x63: {  	_ =	shalt  }
0x64: {  	_ =	shalt  }
0x65: {  	_ =	shalt  }
0x66: {  	_ =	shalt  }
0x67: {  	_ =	shalt  }
0x68: {  	_ =	shalt  }
0x69: {  	_ =	shalt  }
0x6a: {  	_ =	shalt  }
0x6b: {  	_ =	shalt  }
0x6c: {  	_ =	shalt  }
0x6d: {  	_ =	shalt  }
0x6e: {  	_ =	shalt  }
0x6f: {  	_ =	shalt  }
0x70: {  	_ =	shalt  }
0x71: {  	_ =	shalt  }
0x72: {  	_ =	shalt  }
0x73: {  	_ =	shalt  }
0x74: {  	_ =	shalt  }
0x75: {  	_ =	shalt  }
0x76: {  	_ =	shalt  }
0x77: {  	_ =	shalt  }
0x78: {  	_ =	shalt  }
0x79: {  	_ =	shalt  }
0x7a: {  	_ =	shalt  }
0x7b: {  	_ =	shalt  }
0x7c: {  	_ =	shalt  }
0x7d: {  	_ =	shalt  }
0x7e: {  	_ =	shalt  }
0x7f: {  	_ =	shalt  }
0x80: {  	_ =	shalt  }
0x81: {  	_ =	shalt  }
0x82: {  	_ =	shalt  }
0x83: {  	_ =	shalt  }
0x84: {  	_ =	shalt  }
0x85: {  	_ =	shalt  }
0x86: {  	_ =	shalt  }
0x87: {  	_ =	shalt  }
.Lfunc_end0:
.L_simem_size_0:
called_computation.2_lowered:
.L_overlay_start_0:
0x88: {  	s2 =	sld [smem:$0x3FD9]  }
0x89: {  	s3 =	sld [smem:$0x3FFE];
	_ =	sdelay $0x1  }
0x8a: {  	s1 =	srdreg.scid  }
0x8b: {  	s0 =	sand.u32 $0x1, s1  }
0x8c: {  	s16 =	sshll.u32 s0, $0xA;
	s2 =	sadd.s32 s3, s2  }
0x8d: {  	s2 =	sadd.s32 s2, s16  }
0x8e: {  	[smem:$0x3FBB] =	sst s2  }
0x8f: {  	_ = 	snop  }
0x90: {  	(tm) =	ssettm $0x1  }
0x91: {  	s17 =	sld [smem:$0x3FFB];
	_ =	sdelay $0x3  }
0x92: {  	_ =	strace s17  }
0x93: {  	s2 =	sld [smem:$0x3FFC];
	_ =	sdelay $0x3  }
0x94: {  	_ =	strace s2  }
0x95: {  	s2 =	sld [smem:$0x3FFD];
	_ =	sdelay $0x3  }
0x96: {  	_ =	strace s2  }
0x97: {  	_ =	strace $0x8FFFFFFF  }
0x98: {  	s18 =	sld [smem:$0x3FDB];
	_ =	sdelay $0x1  }
0x99: {  	s19 =	simm.s32 $_scs_section_size  }
0x9a: {  	s4 =	simm.s32 $_size__tile_overlayer_lowered;
	s5 =	simm.s32 $_tile_overlayer_lowered  }
0x9b: {  	s22 =	simm.s32 $0x1BFF;
	s21 =	sshll.u32 s5, $0x1;
	s2 =	sadd.s32 s19, s18  }
0x9c: {  	s6 =	simm.s32 $0x0;
	s20 =	sshll.u32 s4, $0x1;
	s4 =	sadd.s32 s21, s2  }
0x9d: {  	[timem:s6], [sflag:s22] =	dma.local [hbm:s4], s20  }
0x9e: {  	_ =	swait.ge [sflag:s22], s20  }
0x9f: {  	s3 =	ssub.s32 $0x0, s20;
	[sflag:s22] =	ssyncset.done $0x0  }
0xa0: {  	[sflag:s22] =	ssyncadd.s32 s3;
	_ =	sdelay $0x1  }
0xa1: {  	s23 =	simm.s32 $0x1B8B  }
0xa2: {  	_ =	swait.ge [sflag:s23], $0x1  }
0xa3: {  	[sflag:s23] =	ssyncset.done $0x0  }
0xa4: {  	s25 =	simm.s32 $0x1B8E;
	s24 =	sld [smem:$0x3FFE];
	[sflag:s23] =	ssyncadd.s32 $0xFFFFFFFF  }
0xa5: {  	s26 =	simm.s32 $execute0_lowered;
	[smem:$0x3FD2] =	sst s25  }
0xa6: {  	s4 =	sshll.u32 s26, $0x1;
	_ =	strace $0x8000004C;
	[dreg:$0x1] =	wrdreg $0xFFFFFFFF  }
0xa7: {  	s28 =	simm.s32 $_size_execute0_lowered;
	s2 =	sadd.s32 s2, s4;
	[dreg:$0x0] =	wrdreg $0x0  }
0xa8: {  	s4 =	sshll.u32 s28, $0x1;
	[dreg:$0x2] =	wrdreg s2  }
0xa9: {  	[dreg:$0x3] =	wrdreg s4  }
0xaa: {  	[dreg:$0x4] =	wrdreg $0xC0  }
0xab: {  	_ =	task [dreg:s6], $0x5FFFF  }
0xac: {  	[dreg:$0x1] =	wrdreg $0xFFFFFFFF  }
0xad: {  	[dreg:$0x0] =	wrdreg $0x60  }
0xae: {  	[dreg:$0x2] =	wrdreg s24  }
0xaf: {  	[dreg:$0x3] =	wrdreg $0x17C000  }
0xb0: {  	[dreg:$0x4] =	wrdreg $0x9  }
0xb1: {  	_ =	task.clear_ibuf [dreg:s6], $0x5FFFF;
	_ =	strace $0x9000004C  }
0xb2: {  	s29 =	simm.s32 $0x9;
	_ =	strace $0x8000004E  }
0xb3: {  	_ =	swait.ge [sflag:s29], $0x1  }
0xb4: {  	[sflag:s29] =	ssyncadd.s32 $0xFFFFFFFF  }
0xb5: {  	_ =	strace $0x9000004E  }
0xb6: {  	_ =	sfence  }
0xb7: {  	s30 =	sld [smem:$0x0];
	_ =	sdelay $0x2  }
0xb8: {  	s31 =	sshll.u32 s1, $0xD;
	s1 =	sshrl.u32 s1, $0x2  }
0xb9: {  	s3 =	sand.u32 $0x4000, s31;
	s1 =	sadd.s32 s1, s30  }
0xba: {  	s0 =	sor.u32 s3, s0;
	s1 =	sshll.u32 s1, $0x11  }
0xbb: {  	s0 =	sor.u32 s1, s0  }
0xbc: {  	s0 =	sadd.s32 $0x8F2B, s0  }
0xbd: {  	[sflag:s0] =	ssyncadd.remote.s32 $0x1  }
0xbe: {  	_ =	sfence.sel $0xFFFF  }
0xbf: {  	[dreg:$0x0] =	wrdreg $0xFFFFFFFF;
	(pc) =	sbr.abs _section_cstart, $3  }
0xc0: {  	[dreg:$0x1] =	wrdreg $0xFFFFFFFF  }
0xc1: {  	_ =	task.clear_ibuf [dreg:s6], $0x2FFFF;
	_ =	strace $0x9FFFFFFF  }
0xc2: {  	(tm) =	ssettm $0x7FFFFFFF  }
0xc3: {  	_ =	shalt  }
tec
execute0_lowered:
.L_overlay_start_1:
0x0: {  	(tag) =	ssettag $0x1  }
0x1: {  	s6 =	rddreg [dreg:$0x0]  }
0x2: {  	s0 =	srdreg.scid;
	s2 =	rddreg [dreg:$0x1]  }
0x3: {  	s3 =	simm.s32 $0x0;
	s13 =	simm.s32 $0x9E00;
	s14 =	simm.s32 $0x80  }
0x4: {  	s15 =	simm.s32 $0x13C00;
	s16 =	simm.s32 $0x14C00;
	s17 =	simm.s32 $0x100  }
0x5: {  	s18 =	simm.s32 $0x15C00;
	s19 =	simm.s32 $0x1;
	s20 =	simm.s32 $0x16C00  }
0x6: {  	s21 =	simm.s32 $0x13A00;
	s22 =	simm.s32 $0x9D80;
	s23 =	simm.s32 $0x13A80  }
0x7: {  	s24 =	simm.s32 $0x13B00;
	s5 =	sand.u32 $0x1, s0;
	s0 =	stileid.u32  }
0x8: {  	s25 =	simm.s32 $0x13B80;
	s26 =	simm.s32 $0x0;
	s8 =	smul.u32 $0x4F00, s0  }
0x9: {  	[smem:$0x7FF] =	sst s3;
	s4 =	sadd.s32 $0x2E00, s6;
	s9 =	smul.u32 $0x4F000, s5  }
0xa: {  	s1 =	sshll.u32 s5, $0x4;
	s10 =	smul.u32 $0x13C0, s0;
	s11 =	ssub.s32 $0x2, s5  }
0xb: {  	s5 =	sadd.s32 $0x16A00, s6;
	s31 =	sshll.u32 s0, $0x6;
	s1 =	sor.u32 s0, s1  }
0xc: {  	s30 =	sshrl.u32 s11, $0x1;
	s7 =	smul.u32 $0x13C0, s1;
	s1 =	rddreg [dreg:$0x2]  }
0xd: {  	_ =	strace $0x8000004D;
	s9 =	sadd.s32 s8, s9;
	s10 =	sadd.s32 s10, s6  }
0xe: {  	s11 =	ssub.s32 s11, s30;
	s12 =	sadd.s32 s8, s2;
	s9 =	sshrl.u32 s9, $0x3  }
0xf: {  	s8 =	sadd.s32 $0x21400, s10;
	s10 =	smax.u32 s11, $0x1;
	s11 =	sshrl.u32 s12, $0x3  }
0x10: {  	s12 =	simm.s32 $0x2;
	s7 =	sadd.s32 s7, s6;
	s9 =	sadd.s32 s9, s6  }
0x11: {  	s6 =	sor.u32 $0x1C02, s31;
	s7 =	sadd.s32 $0x35000, s7;
	s9 =	sadd.s32 $0x5C800, s9  }
.LBB2_1:
0x12: {  	[spmem:s11], [sflag:s6] =	dma.local [hbm:s5], $0x9E0  }
0x13: {  	_ =	swait.ge [sflag:s12], $0x9E0  }
0x14: {  	[sflag:s12] =	ssyncset.done $0x0  }
0x15: {  	[sflag:s12] =	ssyncadd.s32 $0xFFFFF620  }
0x16: {  	[tilespmem:s3], [sflag:$0x2] =	stream.linear.gather [hbm4b:s7+s3], $0x9E00, $0x38;
	[tilespmem:$0x1CB00] =	vst v63  }
0x17: {  	_ =	swait.ge [sflag:s12], $0x9E00  }
0x18: {  	[sflag:s12] =	ssyncset.done $0x0  }
0x19: {  	[sflag:s12] =	ssyncadd.s32 $0xFFFF6200  }
0x1a: {  	[tilespmem:s13], [sflag:$0x2] =	stream.linear.gather [hbm4b:s8+s3], $0x9E00, $0x38;
	[tilespmem:$0x1CB00] =	vst v63  }
0x1b: {  	_ =	swait.ge [sflag:s12], $0x9E00  }
0x1c: {  	[sflag:s12] =	ssyncset.done $0x0  }
0x1d: {  	[sflag:s12] =	ssyncadd.s32 $0xFFFF6200  }
0x1e: {  	[bflag:$0x0] =	sbarrier.arrive $0xFFFF  }
0x1f: {  	[tilespmem:s15], [sflag:$0x1] =	stream.indirect.gather [hbm4b:s4+s14], $0x20, s3, s14, $0xb8;
	[tilespmem:$0x1CB00] =	vst v63  }
0x20: {  	_ = 	snop  }
0x21: {  	[tilespmem:s16], [sflag:$0x1] =	stream.indirect.gather [hbm4b:s4+s14], $0x20, s14, s14, $0xb8;
	[tilespmem:$0x1CB00] =	vst v63  }
0x22: {  	_ = 	snop  }
0x23: {  	[tilespmem:s18], [sflag:$0x1] =	stream.indirect.gather [hbm4b:s4+s14], $0x20, s17, s14, $0xb8;
	[tilespmem:$0x1CB00] =	vst v63  }
0x24: {  	_ =	swait.ge [sflag:s19], $0x1000  }
0x25: {  	[sflag:s19] =	ssyncset.done $0x0  }
0x26: {  	s28 =	simm.s32 $0x9E00;
	[sflag:s19] =	ssyncadd.s32 $0xFFFFF000  }
0x27: {  	[spmem:s2] =	stream.indirect.scatter.add.f32 [tilespmem:s15], [sflag:$0x2], $0x20, s28, s14, $0xb8;
	[tilespmem:$0x1CB00] =	vst v63  }
0x28: {  	_ =	swait.ge [sflag:s12], $0x1000  }
0x29: {  	[sflag:s12] =	ssyncset.done $0x0  }
0x2a: {  	s28 =	simm.s32 $0x180;
	[sflag:s12] =	ssyncadd.s32 $0xFFFFF000  }
0x2b: {  	[tilespmem:s20], [sflag:$0x1] =	stream.indirect.gather [hbm4b:s4+s14], $0x20, s28, s14, $0xb8;
	[tilespmem:$0x1CB00] =	vst v63  }
0x2c: {  	_ =	swait.ge [sflag:s19], $0x1000  }
0x2d: {  	[sflag:s19] =	ssyncset.done $0x0  }
0x2e: {  	s28 =	simm.s32 $0x9E80;
	[sflag:s19] =	ssyncadd.s32 $0xFFFFF000  }
0x2f: {  	[spmem:s2] =	stream.indirect.scatter.add.f32 [tilespmem:s16], [sflag:$0x2], $0x20, s28, s14, $0xb8;
	[tilespmem:$0x1CB00] =	vst v63  }
0x30: {  	_ =	swait.ge [sflag:s12], $0x1000  }
0x31: {  	[sflag:s12] =	ssyncset.done $0x0  }
0x32: {  	s28 =	simm.s32 $0x200;
	[sflag:s12] =	ssyncadd.s32 $0xFFFFF000  }
0x33: {  	[tilespmem:s15], [sflag:$0x1] =	stream.indirect.gather [hbm4b:s4+s14], $0x20, s28, s14, $0xb8;
	[tilespmem:$0x1CB00] =	vst v63  }
0x34: {  	_ =	swait.ge [sflag:s19], $0x1000  }
0x35: {  	[sflag:s19] =	ssyncset.done $0x0  }
0x36: {  	s28 =	simm.s32 $0x9F00;
	[sflag:s19] =	ssyncadd.s32 $0xFFFFF000  }
0x37: {  	[spmem:s2] =	stream.indirect.scatter.add.f32 [tilespmem:s18], [sflag:$0x2], $0x20, s28, s14, $0xb8;
	[tilespmem:$0x1CB00] =	vst v63  }
0x38: {  	_ =	swait.ge [sflag:s12], $0x1000  }
0x39: {  	[sflag:s12] =	ssyncset.done $0x0  }
0x3a: {  	s28 =	simm.s32 $0x280;
	[sflag:s12] =	ssyncadd.s32 $0xFFFFF000  }
0x3b: {  	[tilespmem:s16], [sflag:$0x1] =	stream.indirect.gather [hbm4b:s4+s14], $0x20, s28, s14, $0xb8;
	[tilespmem:$0x1CB00] =	vst v63  }
0x3c: {  	_ =	swait.ge [sflag:s19], $0x1000  }
0x3d: {  	[sflag:s19] =	ssyncset.done $0x0  }
0x3e: {  	s28 =	simm.s32 $0x9F80;
	[sflag:s19] =	ssyncadd.s32 $0xFFFFF000  }
0x3f: {  	[spmem:s2] =	stream.indirect.scatter.add.f32 [tilespmem:s20], [sflag:$0x2], $0x20, s28, s14, $0xb8;
	[tilespmem:$0x1CB00] =	vst v63  }
0x40: {  	_ =	swait.ge [sflag:s12], $0x1000  }
0x41: {  	[sflag:s12] =	ssyncset.done $0x0  }
0x42: {  	s29 =	simm.s32 $0x300;
	s28 =	simm.s32 $0x800;
	[sflag:s12] =	ssyncadd.s32 $0xFFFFF000  }
.LBB2_2:
0x43: {  	[tilespmem:s18], [sflag:$0x1] =	stream.indirect.gather [hbm4b:s4+s14], $0x20, s29, s14, $0xb8;
	[tilespmem:$0x1CB00] =	vst v63  }
0x44: {  	s29 =	smov.u32 s28  }
0x45: {  	p0 =	sne.s32 s28, $0x26800;
	s28 =	sadd.s32 $0x800, s28;
	_ =	swait.ge [sflag:s19], $0x1000  }
0x46: {  	s29 =	sshra.s32 s29, $0x2;
	[sflag:s19] =	ssyncset.done $0x0  }
0x47: {  	s30 =	sadd.s32 $0x9E00, s29;
	[sflag:s19] =	ssyncadd.s32 $0xFFFFF000  }
0x48: {  	[spmem:s2] =	stream.indirect.scatter.add.f32 [tilespmem:s15], [sflag:$0x2], $0x20, s30, s14, $0xb8;
	[tilespmem:$0x1CB00] =	vst v63  }
0x49: {  	_ =	swait.ge [sflag:s12], $0x1000  }
0x4a: {  	[sflag:s12] =	ssyncset.done $0x0  }
0x4b: {  	s30 =	sadd.s32 $0x180, s29;
	[sflag:s12] =	ssyncadd.s32 $0xFFFFF000  }
0x4c: {  	[tilespmem:s20], [sflag:$0x1] =	stream.indirect.gather [hbm4b:s4+s14], $0x20, s30, s14, $0xb8;
	[tilespmem:$0x1CB00] =	vst v63  }
0x4d: {  	_ =	swait.ge [sflag:s19], $0x1000  }
0x4e: {  	[sflag:s19] =	ssyncset.done $0x0  }
0x4f: {  	s30 =	sadd.s32 $0x9E80, s29;
	[sflag:s19] =	ssyncadd.s32 $0xFFFFF000  }
0x50: {  	[spmem:s2] =	stream.indirect.scatter.add.f32 [tilespmem:s16], [sflag:$0x2], $0x20, s30, s14, $0xb8;
	[tilespmem:$0x1CB00] =	vst v63  }
0x51: {  	_ =	swait.ge [sflag:s12], $0x1000  }
0x52: {  	[sflag:s12] =	ssyncset.done $0x0  }
0x53: {  	s30 =	sadd.s32 $0x200, s29;
	[sflag:s12] =	ssyncadd.s32 $0xFFFFF000  }
0x54: {  	[tilespmem:s15], [sflag:$0x1] =	stream.indirect.gather [hbm4b:s4+s14], $0x20, s30, s14, $0xb8;
	[tilespmem:$0x1CB00] =	vst v63  }
0x55: {  	_ =	swait.ge [sflag:s19], $0x1000  }
0x56: {  	[sflag:s19] =	ssyncset.done $0x0  }
0x57: {  	s30 =	sadd.s32 $0x9F00, s29;
	[sflag:s19] =	ssyncadd.s32 $0xFFFFF000  }
0x58: {  	[spmem:s2] =	stream.indirect.scatter.add.f32 [tilespmem:s18], [sflag:$0x2], $0x20, s30, s14, $0xb8;
	[tilespmem:$0x1CB00] =	vst v63  }
0x59: {  	_ =	swait.ge [sflag:s12], $0x1000  }
0x5a: {  	[sflag:s12] =	ssyncset.done $0x0  }
0x5b: {  	s30 =	sadd.s32 $0x280, s29;
	[sflag:s12] =	ssyncadd.s32 $0xFFFFF000  }
0x5c: {  	[tilespmem:s16], [sflag:$0x1] =	stream.indirect.gather [hbm4b:s4+s14], $0x20, s30, s14, $0xb8;
	[tilespmem:$0x1CB00] =	vst v63  }
0x5d: {  	_ =	swait.ge [sflag:s19], $0x1000  }
0x5e: {  	[sflag:s19] =	ssyncset.done $0x0  }
.Ltmp0:
0x5f: {  	s30 =	sadd.s32 $0x9F80, s29;
	[sflag:s19] =	ssyncadd.s32 $0xFFFFF000;
	(pc) =	sbr.rel @p0 .LBB2_2-.Ltmp0, $4  }
0x60: {  	[spmem:s2] =	stream.indirect.scatter.add.f32 [tilespmem:s20], [sflag:$0x2], $0x20, s30, s14, $0xb8;
	[tilespmem:$0x1CB00] =	vst v63  }
0x61: {  	_ =	swait.ge [sflag:s12], $0x1000  }
0x62: {  	[sflag:s12] =	ssyncset.done $0x0  }
0x63: {  	s29 =	sadd.s32 $0x300, s29;
	[sflag:s12] =	ssyncadd.s32 $0xFFFFF000  }
0x64: {  	[tilespmem:s18], [sflag:$0x1] =	stream.indirect.gather [hbm4b:s4+s14], $0x20, s29, s14, $0xb8;
	[tilespmem:$0x1CB00] =	vst v63  }
0x65: {  	_ =	swait.ge [sflag:s19], $0x1000  }
0x66: {  	[sflag:s19] =	ssyncset.done $0x0  }
0x67: {  	[sflag:s19] =	ssyncadd.s32 $0xFFFFF000  }
0x68: {  	[spmem:s2] =	stream.indirect.scatter.add.f32 [tilespmem:s15], [sflag:$0x2], $0x20, s21, s14, $0xb8;
	[tilespmem:$0x1CB00] =	vst v63  }
0x69: {  	_ =	swait.ge [sflag:s12], $0x1000  }
0x6a: {  	[sflag:s12] =	ssyncset.done $0x0  }
0x6b: {  	[sflag:s12] =	ssyncadd.s32 $0xFFFFF000  }
0x6c: {  	[tilespmem:s20], [sflag:$0x1] =	stream.indirect.gather [hbm4b:s4+s14], $0x20, s22, s14, $0xb8;
	[tilespmem:$0x1CB00] =	vst v63  }
0x6d: {  	_ =	swait.ge [sflag:s19], $0x1000  }
0x6e: {  	[sflag:s19] =	ssyncset.done $0x0  }
0x6f: {  	[sflag:s19] =	ssyncadd.s32 $0xFFFFF000  }
0x70: {  	[spmem:s2] =	stream.indirect.scatter.add.f32 [tilespmem:s16], [sflag:$0x2], $0x20, s23, s14, $0xb8;
	[tilespmem:$0x1CB00] =	vst v63  }
0x71: {  	_ =	swait.ge [sflag:s12], $0x1000  }
0x72: {  	[sflag:s12] =	ssyncset.done $0x0  }
0x73: {  	[sflag:s12] =	ssyncadd.s32 $0xFFFFF000  }
0x74: {  	_ =	swait.ge [sflag:s19], $0x1000  }
0x75: {  	[sflag:s19] =	ssyncset.done $0x0  }
0x76: {  	[sflag:s19] =	ssyncadd.s32 $0xFFFFF000  }
0x77: {  	[spmem:s2] =	stream.indirect.scatter.add.f32 [tilespmem:s18], [sflag:$0x2], $0x20, s24, s14, $0xb8;
	[tilespmem:$0x1CB00] =	vst v63  }
0x78: {  	_ =	swait.ge [sflag:s12], $0x1000  }
0x79: {  	[sflag:s12] =	ssyncset.done $0x0  }
0x7a: {  	[sflag:s12] =	ssyncadd.s32 $0xFFFFF000  }
0x7b: {  	_ =	swait.ge [sflag:s19], $0x1000  }
0x7c: {  	[sflag:s19] =	ssyncset.done $0x0  }
0x7d: {  	[sflag:s19] =	ssyncadd.s32 $0xFFFFF000  }
0x7e: {  	[spmem:s2] =	stream.indirect.scatter.add.f32 [tilespmem:s20], [sflag:$0x2], $0x20, s25, s14, $0xb8;
	[tilespmem:$0x1CB00] =	vst v63  }
0x7f: {  	_ =	swait.ge [sflag:s12], $0x1000  }
0x80: {  	s26 =	sadd.s32 $0x1, s26;
	[sflag:s12] =	ssyncset.done $0x0  }
0x81: {  	p0 =	sne.s32 s26, s10;
	[sflag:s12] =	ssyncadd.s32 $0xFFFFF000  }
.Ltmp1:
0x82: {  	[bflag:$0x0] =	sbarrier.arrive $0xFFFF;
	(pc) =	sbr.rel @p0 .LBB2_1-.Ltmp1, $4  }
0x83: {  	[hbm:s9], [sflag:s6] =	dma.local [spmem:s11], $0x9E0  }
0x84: {  	_ =	swait.ge [sflag:s12], $0x9E0  }
0x85: {  	[sflag:s12] =	ssyncset.done $0x0  }
0x86: {  	[sflag:s12] =	ssyncadd.s32 $0xFFFFF620  }
0x87: {  	_ =	sfence.sel $0x180000  }
0x88: {  	[bflag:$0x0] =	sbarrier.arrive $0xFFFF  }
0x89: {  	p0 =	sne.s32 s0, $0x0;
	_ =	strace $0x9000004D  }
0x8a: {  	s0 =	sadd.s32 @!p0 $0x100000, s1;
	[bflag:$0x2] =	sbarrier.arrive $0xFFFF  }
0x8b: {  	[sflag:s0] =	ssyncadd.tile.s32 @!p0 $0x1;
	_ =	shalt  }
.Lfunc_end2:
_tile_overlayer_lowered:
.L_overlay_start_2:
0x8c: {  	(tag) =	ssettag $0x2  }
0x8d: {  	s0 =	rddreg [dreg:$0x0];
	s2 =	stileid.u32  }
0x8e: {  	s1 =	rddreg [dreg:$0x1];
	p0 =	sne.s32 s2, $0x0  }
0x8f: {  	s3 =	rddreg [dreg:$0x2];
	[bflag:$0x3] =	sbarrier.arrive $0xFFFF;
	s2 =	simm.s32 @!p0 $0x1C02  }
0x90: {  	[timem:s3], [sflag:s2] =	dma.local @!p0 [hbm:s0], s1  }
0x91: {  	s0 =	simm.s32 @!p0 $0x2  }
0x92: {  	_ =	swait.ge @!p0 [sflag:s0], s1  }
0x93: {  	s1 =	ssub.s32 @!p0 $0x0, s1;
	[sflag:s0] =	ssyncset.done @!p0 $0x0  }
0x94: {  	[sflag:s0] =	ssyncadd.s32 @!p0 s1  }
0x95: {  	[bflag:$0x3] =	sbarrier.arrive $0xFFFF  }
0x96: {  	_ =	shalt  }

// kernel: kernel.9.cloned.1.call-start
scs
__scs_entry_jumppad:
0x0: {  	(pc) =	sbr.rel $0x88, $3  }
0x1: {  	(tag) =	ssettag $0x0;
	lr =	simm.s32 $0x1  }
0x2: {  	[smem:$0x3F94] =	sst lr;
	_ =	strace $0xD0000000  }
0x3: {  	_ = 	snop  }
0x4: {  	_ = 	snop  }
0x5: {  	_ = 	snop  }
0x6: {  	_ = 	snop  }
0x7: {  	_ = 	snop  }
__scs_overlays_trampoline_lowered:
0x8: {  	[smem:$0x3FA3] =	sst s0  }
0x9: {  	[smem:$0x3FA4] =	sst s1  }
0xa: {  	[smem:$0x3FA5] =	sst s2  }
0xb: {  	[smem:$0x3FA6] =	sst s3  }
0xc: {  	[smem:$0x3FA7] =	sst s4  }
0xd: {  	[smem:$0x3FA8] =	sst s5  }
0xe: {  	[smem:$0x3FA9] =	sst s6  }
0xf: {  	[smem:$0x3FAA] =	sst s7  }
0x10: {  	[smem:$0x3FAB] =	sst s8  }
0x11: {  	[smem:$0x3FAC] =	sst s9;
	s0 =	simm.s32 @!p0 $0x0  }
0x12: {  	s1 =	sld [smem:$0x3F92];
	s0 =	simm.s32 @p0 $0x1  }
0x13: {  	[smem:$0x3FAD] =	sst s0;
	s0 =	simm.s32 @!p1 $0x0  }
0x14: {  	s2 =	sld [smem:$0x3F91];
	s0 =	simm.s32 @p1 $0x1  }
0x15: {  	[smem:$0x3FAE] =	sst s0;
	s0 =	simm.s32 @!p2 $0x0  }
0x16: {  	s3 =	sld [smem:$0x3FDB];
	s0 =	simm.s32 @p2 $0x1  }
0x17: {  	s4 =	simm.s32 $0x1BF5;
	[smem:$0x3FB0] =	sst s0  }
0x18: {  	s0 =	sld [smem:$0x3F93];
	_ =	swait.ge [sflag:s4], $0x0  }
0x19: {  	s7 =	sld [smem:$0x3F94]  }
0x1a: {  	s8 =	sadd.s32 $0xFFFFE003, lr  }
0x1b: {  	s9 =	sadd.s32 $0xFFFFFEF7, lr;
	s5 =	simm.s32 $0xFFFFFFFF;
	p2 =	slt.u32 s8, $0xFFFFF086  }
0x1c: {  	p1 =	slt.u32 s9, $0xF7A;
	s5 =	simm.s32 @!p2 $0x0  }
0x1d: {  	s5 =	simm.s32 @p1 $0x1;
	p0 =	seq.s32 s7, s2  }
0x1e: {  	s7 =	smul.u32 @!p0 $0xF7A, s2;
	p2 =	seq.s32 @!p0 s5, $0x0  }
0x1f: {  	s9 =	smul.u32 $0xF7A, s1;
	s8 =	simm.s32 @!p0 $0x1BF5;
	p2 =	por !p2, p0  }
0x20: {  	[sflag:s8] =	ssyncset.s32 @!p0 $0xFFFFF086;
	s6 =	sadd.s32 @!p0 s3, s7;
	s7 =	simm.s32 @!p0 $0x108  }
0x21: {  	s3 =	sadd.s32 s3, s9;
	s6 =	sadd.s32 @!p0 $0x88, s6;
	s7 =	simm.s32 @p2 $0x1082  }
0x22: {  	[simem:s7], [sflag:s8] =	dma.local @!p0 [hbm:s6], $0xF7A  }
0x23: {  	s9 =	sor.u32 $0xD0000000, s2;
	s6 =	simm.s32 $0x108;
	_ =	swait.ge @!p0 [sflag:s8], $0x0  }
0x24: {  	s3 =	sadd.s32 $0x88, s3;
	s6 =	simm.s32 @!p1 $0x1082;
	[sflag:s4] =	ssyncset.s32 $0xFFFFF086  }
0x25: {  	[simem:s6], [sflag:s4] =	dma.local [hbm:s3], $0xF7A  }
0x26: {  	[smem:$0x3F94] =	sst s1;
	(tag) =	ssettag s2;
	_ =	strace s9  }
0x27: {  	s1 =	sld [smem:$0x3FA4]  }
0x28: {  	s2 =	sld [smem:$0x3FA5]  }
0x29: {  	s4 =	sld [smem:$0x3FA7]  }
0x2a: {  	p0 =	seq.s32 s5, $0x0;
	s5 =	sld [smem:$0x3FA8]  }
0x2b: {  	s6 =	sld [smem:$0x3FA9]  }
0x2c: {  	s7 =	sld [smem:$0x3FAA]  }
0x2d: {  	s3 =	simm.s32 $0x108;
	s8 =	sld [smem:$0x3FAB]  }
0x2e: {  	s3 =	simm.s32 @!p0 $0x1082;
	s9 =	sld [smem:$0x3FAC]  }
0x2f: {  	lr =	sadd.s32 s0, s3;
	s0 =	sld [smem:$0x3FA3]  }
0x30: {  	s3 =	sld [smem:$0x3FA6]  }
0x31: {  	[smem:$0x3FAF] =	sst s10  }
0x32: {  	s10 =	sld [smem:$0x3FAD];
	_ =	sdelay $0x3  }
0x33: {  	p0 =	seq.s32 s10, $0x1;
	s10 =	sld [smem:$0x3FAF];
	_ =	sdelay $0x3  }
0x34: {  	[smem:$0x3FAF] =	sst s10  }
0x35: {  	s10 =	sld [smem:$0x3FAE];
	_ =	sdelay $0x3  }
0x36: {  	p1 =	seq.s32 s10, $0x1;
	s10 =	sld [smem:$0x3FAF];
	_ =	sdelay $0x3  }
0x37: {  	[smem:$0x3FAF] =	sst s10  }
0x38: {  	s10 =	sld [smem:$0x3FB0]  }
0x39: {  	_ = 	snop;
	(pc) =	sbr.ind lr, $3  }
0x3a: {  	_ = 	snop  }
0x3b: {  	_ = 	snop  }
0x3c: {  	p2 =	seq.s32 s10, $0x1;
	s10 =	sld [smem:$0x3FAF]  }
0x3d: {  	_ =	shalt  }
0x3e: {  	_ =	shalt  }
0x3f: {  	_ =	shalt  }
0x40: {  	_ =	shalt  }
0x41: {  	_ =	shalt  }
0x42: {  	_ =	shalt  }
0x43: {  	_ =	shalt  }
0x44: {  	_ =	shalt  }
0x45: {  	_ =	shalt  }
0x46: {  	_ =	shalt  }
0x47: {  	_ =	shalt  }
0x48: {  	_ =	shalt  }
0x49: {  	_ =	shalt  }
0x4a: {  	_ =	shalt  }
0x4b: {  	_ =	shalt  }
0x4c: {  	_ =	shalt  }
0x4d: {  	_ =	shalt  }
0x4e: {  	_ =	shalt  }
0x4f: {  	_ =	shalt  }
0x50: {  	_ =	shalt  }
0x51: {  	_ =	shalt  }
0x52: {  	_ =	shalt  }
0x53: {  	_ =	shalt  }
0x54: {  	_ =	shalt  }
0x55: {  	_ =	shalt  }
0x56: {  	_ =	shalt  }
0x57: {  	_ =	shalt  }
0x58: {  	_ =	shalt  }
0x59: {  	_ =	shalt  }
0x5a: {  	_ =	shalt  }
0x5b: {  	_ =	shalt  }
0x5c: {  	_ =	shalt  }
0x5d: {  	_ =	shalt  }
0x5e: {  	_ =	shalt  }
0x5f: {  	_ =	shalt  }
0x60: {  	_ =	shalt  }
0x61: {  	_ =	shalt  }
0x62: {  	_ =	shalt  }
0x63: {  	_ =	shalt  }
0x64: {  	_ =	shalt  }
0x65: {  	_ =	shalt  }
0x66: {  	_ =	shalt  }
0x67: {  	_ =	shalt  }
0x68: {  	_ =	shalt  }
0x69: {  	_ =	shalt  }
0x6a: {  	_ =	shalt  }
0x6b: {  	_ =	shalt  }
0x6c: {  	_ =	shalt  }
0x6d: {  	_ =	shalt  }
0x6e: {  	_ =	shalt  }
0x6f: {  	_ =	shalt  }
0x70: {  	_ =	shalt  }
0x71: {  	_ =	shalt  }
0x72: {  	_ =	shalt  }
0x73: {  	_ =	shalt  }
0x74: {  	_ =	shalt  }
0x75: {  	_ =	shalt  }
0x76: {  	_ =	shalt  }
0x77: {  	_ =	shalt  }
0x78: {  	_ =	shalt  }
0x79: {  	_ =	shalt  }
0x7a: {  	_ =	shalt  }
0x7b: {  	_ =	shalt  }
0x7c: {  	_ =	shalt  }
0x7d: {  	_ =	shalt  }
0x7e: {  	_ =	shalt  }
0x7f: {  	_ =	shalt  }
0x80: {  	_ =	shalt  }
0x81: {  	_ =	shalt  }
0x82: {  	_ =	shalt  }
0x83: {  	_ =	shalt  }
0x84: {  	_ =	shalt  }
0x85: {  	_ =	shalt  }
0x86: {  	_ =	shalt  }
0x87: {  	_ =	shalt  }
.Lfunc_end0:
.L_simem_size_0:
called_computation_lowered:
.L_overlay_start_0:
0x88: {  	s2 =	sld [smem:$0x3FD9]  }
0x89: {  	s3 =	sld [smem:$0x3FFE];
	_ =	sdelay $0x1  }
0x8a: {  	s1 =	srdreg.scid  }
0x8b: {  	s0 =	sand.u32 $0x1, s1  }
0x8c: {  	s16 =	sshll.u32 s0, $0xA;
	s2 =	sadd.s32 s3, s2  }
0x8d: {  	s2 =	sadd.s32 s2, s16  }
0x8e: {  	[smem:$0x3FBB] =	sst s2  }
0x8f: {  	_ = 	snop  }
0x90: {  	(tm) =	ssettm $0x1  }
0x91: {  	s17 =	sld [smem:$0x3FFB];
	_ =	sdelay $0x3  }
0x92: {  	_ =	strace s17  }
0x93: {  	s2 =	sld [smem:$0x3FFC];
	_ =	sdelay $0x3  }
0x94: {  	_ =	strace s2  }
0x95: {  	s2 =	sld [smem:$0x3FFD];
	_ =	sdelay $0x3  }
0x96: {  	_ =	strace s2  }
0x97: {  	_ =	strace $0x8FFFFFFF  }
0x98: {  	s18 =	sld [smem:$0x3FDB];
	_ =	sdelay $0x1  }
0x99: {  	s19 =	simm.s32 $_scs_section_size  }
0x9a: {  	s4 =	simm.s32 $_size__tile_overlayer_lowered;
	s5 =	simm.s32 $_tile_overlayer_lowered  }
0x9b: {  	s22 =	simm.s32 $0x1BFF;
	s21 =	sshll.u32 s5, $0x1;
	s2 =	sadd.s32 s19, s18  }
0x9c: {  	s6 =	simm.s32 $0x0;
	s20 =	sshll.u32 s4, $0x1;
	s4 =	sadd.s32 s21, s2  }
0x9d: {  	[timem:s6], [sflag:s22] =	dma.local [hbm:s4], s20  }
0x9e: {  	_ =	swait.ge [sflag:s22], s20  }
0x9f: {  	s3 =	ssub.s32 $0x0, s20;
	[sflag:s22] =	ssyncset.done $0x0  }
0xa0: {  	[sflag:s22] =	ssyncadd.s32 s3;
	_ =	sdelay $0x1  }
0xa1: {  	s23 =	simm.s32 $0x1B8B  }
0xa2: {  	_ =	swait.ge [sflag:s23], $0x1  }
0xa3: {  	[sflag:s23] =	ssyncset.done $0x0  }
0xa4: {  	s25 =	simm.s32 $0x1B8E;
	s24 =	sld [smem:$0x3FFE];
	[sflag:s23] =	ssyncadd.s32 $0xFFFFFFFF  }
0xa5: {  	s26 =	simm.s32 $execute0_lowered;
	[smem:$0x3FD2] =	sst s25  }
0xa6: {  	s4 =	sshll.u32 s26, $0x1;
	_ =	strace $0x80000046;
	[dreg:$0x1] =	wrdreg $0xFFFFFFFF  }
0xa7: {  	s28 =	simm.s32 $_size_execute0_lowered;
	s2 =	sadd.s32 s2, s4;
	[dreg:$0x0] =	wrdreg $0x0  }
0xa8: {  	s4 =	sshll.u32 s28, $0x1;
	[dreg:$0x2] =	wrdreg s2  }
0xa9: {  	[dreg:$0x3] =	wrdreg s4  }
0xaa: {  	[dreg:$0x4] =	wrdreg $0xC0  }
0xab: {  	_ =	task [dreg:s6], $0x5FFFF  }
0xac: {  	[dreg:$0x1] =	wrdreg $0xFFFFFFFF  }
0xad: {  	[dreg:$0x0] =	wrdreg $0x60  }
0xae: {  	[dreg:$0x2] =	wrdreg s24  }
0xaf: {  	[dreg:$0x3] =	wrdreg $0x58000  }
0xb0: {  	[dreg:$0x4] =	wrdreg $0x9  }
0xb1: {  	_ =	task.clear_ibuf [dreg:s6], $0x5FFFF;
	_ =	strace $0x90000046  }
0xb2: {  	s29 =	simm.s32 $0x9;
	_ =	strace $0x80000048  }
0xb3: {  	_ =	swait.ge [sflag:s29], $0x1  }
0xb4: {  	[sflag:s29] =	ssyncadd.s32 $0xFFFFFFFF  }
0xb5: {  	_ =	strace $0x90000048  }
0xb6: {  	_ =	sfence  }
0xb7: {  	s30 =	sld [smem:$0x0];
	_ =	sdelay $0x2  }
0xb8: {  	s31 =	sshll.u32 s1, $0xD;
	s1 =	sshrl.u32 s1, $0x2  }
0xb9: {  	s3 =	sand.u32 $0x4000, s31;
	s1 =	sadd.s32 s1, s30  }
0xba: {  	s0 =	sor.u32 s3, s0;
	s1 =	sshll.u32 s1, $0x11  }
0xbb: {  	s0 =	sor.u32 s1, s0  }
0xbc: {  	s0 =	sadd.s32 $0x8F2B, s0  }
0xbd: {  	[sflag:s0] =	ssyncadd.remote.s32 $0x1  }
0xbe: {  	_ =	sfence.sel $0xFFFF  }
0xbf: {  	[dreg:$0x0] =	wrdreg $0xFFFFFFFF;
	(pc) =	sbr.abs _section_cstart, $3  }
0xc0: {  	[dreg:$0x1] =	wrdreg $0xFFFFFFFF  }
0xc1: {  	_ =	task.clear_ibuf [dreg:s6], $0x2FFFF;
	_ =	strace $0x9FFFFFFF  }
0xc2: {  	(tm) =	ssettm $0x7FFFFFFF  }
0xc3: {  	_ =	shalt  }
tec
execute0_lowered:
.L_overlay_start_1:
0x0: {  	(tag) =	ssettag $0x1  }
0x1: {  	s6 =	rddreg [dreg:$0x0]  }
0x2: {  	s0 =	srdreg.scid;
	s2 =	rddreg [dreg:$0x1];
	s3 =	simm.s32 $0x0  }
0x3: {  	s12 =	simm.s32 $0x5000;
	s5 =	sand.u32 $0x1, s0;
	s0 =	stileid.u32  }
0x4: {  	s13 =	simm.s32 $0x80;
	s14 =	simm.s32 $0x0;
	s7 =	smul.u32 $0x2780, s0  }
0x5: {  	[smem:$0x7FF] =	sst s3;
	s1 =	sshll.u32 s5, $0x4;
	s8 =	smul.u32 $0x27800, s5  }
0x6: {  	s10 =	ssub.s32 $0x2, s5;
	s5 =	sadd.s32 $0x16E00, s6;
	s1 =	sor.u32 s0, s1  }
0x7: {  	s31 =	sshll.u32 s0, $0x6;
	s30 =	sshrl.u32 s10, $0x1;
	s4 =	smul.u32 $0xA00, s1  }
0x8: {  	s1 =	rddreg [dreg:$0x2];
	_ =	strace $0x80000047;
	s8 =	sadd.s32 s7, s8  }
0x9: {  	s10 =	ssub.s32 s10, s30;
	s11 =	sadd.s32 s7, s2;
	s8 =	sshrl.u32 s8, $0x3  }
0xa: {  	s9 =	sadd.s32 s4, s6;
	s4 =	sadd.s32 $0x17400, s6;
	s8 =	sadd.s32 s8, s6  }
0xb: {  	s6 =	sor.u32 $0x1C01, s31;
	s7 =	sadd.s32 $0x2E00, s9;
	s8 =	sadd.s32 $0x17600, s8  }
0xc: {  	s9 =	smax.u32 s10, $0x1;
	s10 =	sshrl.u32 s11, $0x3;
	s11 =	simm.s32 $0x1  }
.LBB2_1:
0xd: {  	[spmem:s10], [sflag:s6] =	dma.local [hbm:s5], $0x4F0  }
0xe: {  	_ =	swait.ge [sflag:s11], $0x4F0  }
0xf: {  	[sflag:s11] =	ssyncset.done $0x0  }
0x10: {  	[sflag:s11] =	ssyncadd.s32 $0xFFFFFB10  }
0x11: {  	[tilespmem:s3], [sflag:$0x1] =	stream.linear.gather [hbm4b:s7+s3], $0x5000, $0x38;
	[tilespmem:$0x7F80] =	vst v63  }
0x12: {  	_ =	swait.ge [sflag:s11], $0x5000  }
0x13: {  	[sflag:s11] =	ssyncset.done $0x0  }
0x14: {  	[sflag:s11] =	ssyncadd.s32 $0xFFFFB000  }
0x15: {  	[tilespmem:s12], [sflag:$0x1] =	stream.linear.gather [hbm4b:s4+s3], $0x800, $0x38;
	[tilespmem:$0x7F80] =	vst v63  }
0x16: {  	_ =	swait.ge [sflag:s11], $0x800  }
0x17: {  	[sflag:s11] =	ssyncset.done $0x0  }
0x18: {  	[sflag:s11] =	ssyncadd.s32 $0xFFFFF800  }
0x19: {  	s15 =	simm.s32 $0x0;
	[bflag:$0x0] =	sbarrier.arrive $0xFFFF  }
0x1a: {  	[spmem:s2] =	stream.indirect.scatter.add.f32 [tilespmem:s12], [sflag:$0x1], $0x10, s15, s13, $0xb8;
	[tilespmem:$0x7F80] =	vst v63  }
0x1b: {  	_ =	swait.ge [sflag:s11], $0x800  }
0x1c: {  	s15 =	simm.s32 $0x200;
	[sflag:s11] =	ssyncset.done $0x0  }
.LBB2_2:
0x1d: {  	s16 =	sshra.s32 s15, $0x2;
	[sflag:s11] =	ssyncadd.s32 $0xFFFFF800;
	p0 =	sne.s32 s15, $0x13E00  }
0x1e: {  	[spmem:s2] =	stream.indirect.scatter.add.f32 [tilespmem:s12], [sflag:$0x1], $0x10, s16, s13, $0xb8;
	[tilespmem:$0x7F80] =	vst v63  }
.Ltmp0:
0x1f: {  	_ = 	snop;
	(pc) =	sbr.rel @p0 .LBB2_2-.Ltmp0, $4  }
0x20: {  	_ = 	snop  }
0x21: {  	s15 =	sadd.s32 $0x200, s15  }
0x22: {  	_ =	swait.ge [sflag:s11], $0x800  }
0x23: {  	[sflag:s11] =	ssyncset.done $0x0  }
0x24: {  	s14 =	sadd.s32 $0x1, s14  }
0x25: {  	[sflag:s11] =	ssyncadd.s32 $0xFFFFF800;
	p0 =	sne.s32 s14, s9  }
.Ltmp1:
0x26: {  	[bflag:$0x0] =	sbarrier.arrive $0xFFFF;
	(pc) =	sbr.rel @p0 .LBB2_1-.Ltmp1, $4  }
0x27: {  	[hbm:s8], [sflag:s6] =	dma.local [spmem:s10], $0x4F0  }
0x28: {  	_ =	swait.ge [sflag:s11], $0x4F0  }
0x29: {  	[sflag:s11] =	ssyncset.done $0x0  }
0x2a: {  	[sflag:s11] =	ssyncadd.s32 $0xFFFFFB10  }
0x2b: {  	_ =	sfence.sel $0x180000  }
0x2c: {  	[bflag:$0x0] =	sbarrier.arrive $0xFFFF  }
0x2d: {  	p0 =	sne.s32 s0, $0x0;
	_ =	strace $0x90000047  }
0x2e: {  	s0 =	sadd.s32 @!p0 $0x100000, s1;
	[bflag:$0x2] =	sbarrier.arrive $0xFFFF  }
0x2f: {  	[sflag:s0] =	ssyncadd.tile.s32 @!p0 $0x1;
	_ =	shalt  }
.Lfunc_end2:
_tile_overlayer_lowered:
.L_overlay_start_2:
0x30: {  	(tag) =	ssettag $0x2  }
0x31: {  	s0 =	rddreg [dreg:$0x0];
	s2 =	stileid.u32  }
0x32: {  	s1 =	rddreg [dreg:$0x1];
	p0 =	sne.s32 s2, $0x0  }
0x33: {  	s3 =	rddreg [dreg:$0x2];
	[bflag:$0x3] =	sbarrier.arrive $0xFFFF;
	s2 =	simm.s32 @!p0 $0x1C01  }
0x34: {  	[timem:s3], [sflag:s2] =	dma.local @!p0 [hbm:s0], s1  }
0x35: {  	s0 =	simm.s32 @!p0 $0x1  }
0x36: {  	_ =	swait.ge @!p0 [sflag:s0], s1  }
0x37: {  	s1 =	ssub.s32 @!p0 $0x0, s1;
	[sflag:s0] =	ssyncset.done @!p0 $0x0  }
0x38: {  	[sflag:s0] =	ssyncadd.s32 @!p0 s1  }
0x39: {  	[bflag:$0x3] =	sbarrier.arrive $0xFFFF  }
0x3a: {  	_ =	shalt  }

</sc_bundles>
